<compile_context>
chip_gen: v7x
topology: tpu7x:2x2x1
jax: 0.10.2.dev20260603
libtpu: 0.0.44.dev20260713+nightly
codegen_flags: <defaults>
</compile_context>

<pallas_src>
import functools

import jax
import jax.numpy as jnp
from jax import lax
from jax.experimental import pallas as pl
from jax.experimental.pallas import tpu as pltpu
from jax.experimental.pallas import tpu_sc as plsc

_NC = 2
_NS = 16
_NW = _NC * _NS

_CH = 14
_L = 16


@functools.lru_cache(maxsize=None)
def _make_gather(V, D, B):
  assert D % _L == 0 and B % _NW == 0
  b_per_w = B // _NW
  n_tc = (V + 127) // 128
  c_max = n_tc - _CH
  W = _CH * 128
  i32max = jnp.iinfo(jnp.int32).max

  mesh = plsc.VectorSubcoreMesh(core_axis_name="c", subcore_axis_name="s")

  @functools.partial(
      pl.kernel,
      out_type=jax.ShapeDtypeStruct(((B + 1) * D,), jnp.float32),
      mesh=mesh,
      scratch_types=[
          pltpu.VMEM((b_per_w + _L,), jnp.int32),
          pltpu.VMEM((b_per_w + _L,), jnp.int32),
          pltpu.VMEM((D, W), jnp.float32),
          pltpu.VMEM((_L * D,), jnp.float32),
          pltpu.SemaphoreType.DMA,
          pltpu.SemaphoreType.DMA,
          pltpu.SemaphoreType.DMA,
      ],
      compiler_params=pltpu.CompilerParams(
          use_tc_tiling_on_sc=True, needs_layout_passes=False
      ),
  )
  def k(tT_hbm, sidx_hbm, spos_hbm, out_hbm, idx_v, pos_v, buf, hbuf,
        ssem, bsem, wsem):
    wid = lax.axis_index("s") * _NC + lax.axis_index("c")
    base = wid * b_per_w
    pltpu.sync_copy(sidx_hbm.at[pl.ds(base, b_per_w)], idx_v.at[pl.ds(0, b_per_w)])
    pltpu.sync_copy(spos_hbm.at[pl.ds(base, b_per_w)], pos_v.at[pl.ds(0, b_per_w)])
    idx_v[pl.ds(b_per_w, _L)] = jnp.full((_L,), i32max, jnp.int32)
    iota = lax.iota(jnp.int32, _L)

    def step(s, carry):
      ptr, pc0 = carry
      active = ptr < b_per_w
      v = idx_v[pl.ds(ptr, _L)]
      pv = pos_v[pl.ds(ptr, _L)]
      reuse = jnp.logical_and(pc0 >= 0, v[_L - 1] < (pc0 + _CH) * 128)
      c0 = jnp.where(reuse, pc0, jnp.minimum(v[0] // 128, c_max))
      fetch = jnp.logical_and(active, jnp.logical_not(reuse))
      off = c0 * 128
      off_a = pl.multiple_of(off, 128)

      def half_copy(r0, sem):
        return pltpu.make_async_copy(
            tT_hbm.at[pl.ds(r0, D // 2), pl.ds(off_a, W)],
            buf.at[pl.ds(r0, D // 2), :],
            sem,
        )

      @pl.when(fetch)
      def _():
        top = half_copy(0, ssem)
        bot = half_copy(D // 2, bsem)
        top.start()
        bot.start()
        top.wait()

      hi = off + W
      n0 = plsc.all_reduce_population_count(v < hi)[0]
      cols = [
          jnp.full((_L,), jnp.clip(v[kk] - off, 0, W - 1), jnp.int32)
          for kk in range(_L)
      ]

      @pl.when(active)
      def _():
        for kk in range(_L):
          for q in range(D // (2 * _L)):
            vals = plsc.load_gather(buf, [iota + q * _L, cols[kk]])
            hbuf[pl.ds(kk * D + q * _L, _L)] = vals

      @pl.when(fetch)
      def _():
        half_copy(D // 2, bsem).wait()

      @pl.when(active)
      def _():
        copies = []
        for kk in range(_L):
          for q in range(D // (2 * _L), D // _L):
            vals = plsc.load_gather(buf, [iota + q * _L, cols[kk]])
            hbuf[pl.ds(kk * D + q * _L, _L)] = vals
          dst_row = jnp.where(kk < n0, pv[kk], B)
          copies.append(
              pltpu.make_async_copy(
                  hbuf.at[pl.ds(kk * D, D)],
                  out_hbm.at[pl.ds(dst_row * D, D)],
                  wsem,
              )
          )
          copies[-1].start()
        for cp in copies:
          cp.wait()

      return (ptr + n0, c0)

    pl.loop(0, b_per_w, init_carry=(jnp.int32(0), jnp.int32(-1)))(step)

  return k


def kernel(t, index):
  V, D = t.shape
  (B,) = index.shape
  idx32 = index.astype(jnp.int32)
  sidx, spos = lax.sort_key_val(idx32, lax.iota(jnp.int32, B))
  flat = _make_gather(V, D, B)(t.T, sidx, spos)
  return flat[: B * D].reshape(B, D)

# --- scband reference (transcript-rebuilt; emitter-appended) ---
"""Pipeline reference for scband-index-32478542692942 (READ-ONLY COPY).

The authoritative reference and input builder live on the scoring server;
editing this copy changes nothing except your own understanding.
"""

import jax, jax.numpy as jnp
import numpy as np

def setup_inputs(seed: int = 0) -> dict:
    key = jax.random.key(seed)
    k1, k2 = jax.random.split(key)
    t = jax.random.normal(k1, (1000000, 64), dtype=jnp.float32)
    index = jax.random.randint(k2, (16384,), 0, 1000000, dtype=jnp.int64 if jax.config.read('jax_enable_x64') else jnp.int32)
    return {"t": t, "index": index}

def reference(t, index):
    # Index module: torch.index_select(t, dimension=0, index)
    return jnp.take(t, index, axis=0)

if __name__ == "__main__":
    import jax
    _d = setup_inputs()
    print(jax.jit(kernel)(*tuple(_d.values())))

</pallas_src>

<mosaic_0001>
#map = affine_map<(d0, d1) -> (0, 0)>
#map1 = affine_map<(d0, d1) -> (0)>
module attributes {stable_mosaic.version = 14 : i64} {
  func.func @k(%arg0: i32, %arg1: i32, %arg2: memref<64x1000000xf32, #tpu.memory_space<hbm>>, %arg3: memref<16384xi32, #tpu.memory_space<hbm>>, %arg4: memref<16384xi32, #tpu.memory_space<hbm>>, %arg5: memref<1048640xf32, #tpu.memory_space<hbm>>, %arg6: memref<528xi32, #tpu.memory_space<vmem>>, %arg7: memref<528xi32, #tpu.memory_space<vmem>>, %arg8: memref<64x1792xf32, #tpu.memory_space<vmem>>, %arg9: memref<1024xf32, #tpu.memory_space<vmem>>, %arg10: memref<!tpu.dma_semaphore, #tpu.memory_space<semaphore_mem>>, %arg11: memref<!tpu.dma_semaphore, #tpu.memory_space<semaphore_mem>>, %arg12: memref<!tpu.dma_semaphore, #tpu.memory_space<semaphore_mem>>) attributes {dimension_semantics = [#tpu.dimension_semantics<core_parallel>, #tpu.dimension_semantics<subcore_parallel>], iteration_bounds = array<i64: 2, 16>, scalar_prefetch = 0 : i64, scratch_operands = 7 : i64, tpu.core_type = #tpu.core_type<sc_vector_subcore>, window_params = [{transform_indices = #map}, {transform_indices = #map1}, {transform_indices = #map1}, {transform_indices = #map1}]} {
    %mul3A = arith.constant 2 : i32
    %mul3A_0 = arith.muli %arg1, %mul3A : i32
    %add3A = arith.addi %mul3A_0, %arg0 : i32
    %mul3A_1 = arith.constant 512 : i32
    %mul3A_2 = arith.muli %add3A, %mul3A_1 : i32
    "tpu.region"() ({
      %run_scoped3A = tpu.sem_alloc : memref<!tpu.dma_semaphore, #tpu.memory_space<semaphore_mem>>
      %dma_start3A = arith.constant 0 : i32
      %dma_start3A_12 = tpu.memref_slice %arg6[%dma_start3A] : memref<528xi32, #tpu.memory_space<vmem>> -> memref<512xi32, #tpu.memory_space<vmem>>
      %dma_start3A_13 = tpu.memref_slice %arg3[%mul3A_2] : memref<16384xi32, #tpu.memory_space<hbm>> -> memref<512xi32, #tpu.memory_space<hbm>>
      %dma_start3A_14 = arith.constant 0 : i32
      %dma_start3A_15 = tpu.memref_slice %arg6[%dma_start3A_14] : memref<528xi32, #tpu.memory_space<vmem>> -> memref<512xi32, #tpu.memory_space<vmem>>
      %dma_start3A_16 = tpu.memref_slice %arg3[%mul3A_2] : memref<16384xi32, #tpu.memory_space<hbm>> -> memref<512xi32, #tpu.memory_space<hbm>>
      tpu.enqueue_dma source(%dma_start3A_16 : memref<512xi32, #tpu.memory_space<hbm>>) target(%dma_start3A_15 : memref<512xi32, #tpu.memory_space<vmem>>) target_semaphore(%run_scoped3A : memref<!tpu.dma_semaphore, #tpu.memory_space<semaphore_mem>>)
      %dma_wait3A = arith.constant 0 : i32
      %dma_wait3A_17 = tpu.memref_slice %arg6[%dma_wait3A] : memref<528xi32, #tpu.memory_space<vmem>> -> memref<512xi32, #tpu.memory_space<vmem>>
      %dma_wait3A_18 = tpu.memref_slice %arg3[%mul3A_2] : memref<16384xi32, #tpu.memory_space<hbm>> -> memref<512xi32, #tpu.memory_space<hbm>>
      %dma_wait3A_19 = arith.constant 0 : i32
      %dma_wait3A_20 = tpu.memref_slice %arg6[%dma_wait3A_19] : memref<528xi32, #tpu.memory_space<vmem>> -> memref<512xi32, #tpu.memory_space<vmem>>
      %dma_wait3A_21 = tpu.memref_slice %arg3[%mul3A_2] : memref<16384xi32, #tpu.memory_space<hbm>> -> memref<512xi32, #tpu.memory_space<hbm>>
      tpu.wait_dma2 semaphore(%run_scoped3A : memref<!tpu.dma_semaphore, #tpu.memory_space<semaphore_mem>>) src(%dma_wait3A_21 : memref<512xi32, #tpu.memory_space<hbm>>) dst(%dma_wait3A_20 : memref<512xi32, #tpu.memory_space<vmem>>)
      tpu.yield
    }) : () -> ()
    "tpu.region"() ({
      %run_scoped3A = tpu.sem_alloc : memref<!tpu.dma_semaphore, #tpu.memory_space<semaphore_mem>>
      %dma_start3A = arith.constant 0 : i32
      %dma_start3A_12 = tpu.memref_slice %arg7[%dma_start3A] : memref<528xi32, #tpu.memory_space<vmem>> -> memref<512xi32, #tpu.memory_space<vmem>>
      %dma_start3A_13 = tpu.memref_slice %arg4[%mul3A_2] : memref<16384xi32, #tpu.memory_space<hbm>> -> memref<512xi32, #tpu.memory_space<hbm>>
      %dma_start3A_14 = arith.constant 0 : i32
      %dma_start3A_15 = tpu.memref_slice %arg7[%dma_start3A_14] : memref<528xi32, #tpu.memory_space<vmem>> -> memref<512xi32, #tpu.memory_space<vmem>>
      %dma_start3A_16 = tpu.memref_slice %arg4[%mul3A_2] : memref<16384xi32, #tpu.memory_space<hbm>> -> memref<512xi32, #tpu.memory_space<hbm>>
      tpu.enqueue_dma source(%dma_start3A_16 : memref<512xi32, #tpu.memory_space<hbm>>) target(%dma_start3A_15 : memref<512xi32, #tpu.memory_space<vmem>>) target_semaphore(%run_scoped3A : memref<!tpu.dma_semaphore, #tpu.memory_space<semaphore_mem>>)
      %dma_wait3A = arith.constant 0 : i32
      %dma_wait3A_17 = tpu.memref_slice %arg7[%dma_wait3A] : memref<528xi32, #tpu.memory_space<vmem>> -> memref<512xi32, #tpu.memory_space<vmem>>
      %dma_wait3A_18 = tpu.memref_slice %arg4[%mul3A_2] : memref<16384xi32, #tpu.memory_space<hbm>> -> memref<512xi32, #tpu.memory_space<hbm>>
      %dma_wait3A_19 = arith.constant 0 : i32
      %dma_wait3A_20 = tpu.memref_slice %arg7[%dma_wait3A_19] : memref<528xi32, #tpu.memory_space<vmem>> -> memref<512xi32, #tpu.memory_space<vmem>>
      %dma_wait3A_21 = tpu.memref_slice %arg4[%mul3A_2] : memref<16384xi32, #tpu.memory_space<hbm>> -> memref<512xi32, #tpu.memory_space<hbm>>
      tpu.wait_dma2 semaphore(%run_scoped3A : memref<!tpu.dma_semaphore, #tpu.memory_space<semaphore_mem>>) src(%dma_wait3A_21 : memref<512xi32, #tpu.memory_space<hbm>>) dst(%dma_wait3A_20 : memref<512xi32, #tpu.memory_space<vmem>>)
      tpu.yield
    }) : () -> ()
    %broadcast_in_dim3A = arith.constant 2147483647 : i32
    %broadcast_in_dim3A_3 = vector.broadcast %broadcast_in_dim3A : i32 to vector<16xi32>
    %swap3A = arith.constant 512 : index
    %swap3A_4 = tpu.vector_load %arg6[%swap3A] {strides = array<i32>} : memref<528xi32, #tpu.memory_space<vmem>>, vector<16xi32>,
    tpu.vector_store %arg6[%swap3A], %broadcast_in_dim3A_3 {strides = array<i32>} : memref<528xi32, #tpu.memory_space<vmem>>, vector<16xi32>,
    %iota3A = tpu.iota {dimensions = array<i32: 0>} : vector<16xi32>
    %scan3A = arith.constant 0 : i32
    %scan3A_5 = arith.constant -1 : i32
    %scan3A_6 = arith.constant 0 : i32
    %scan3A_7 = arith.constant 512 : i32
    %scan3A_8 = arith.addi %scan3A_6, %scan3A_7 : i32
    %scan3A_9 = arith.constant 1 : i32
    %scan3A_10:2 = scf.for %scan3A_12 = %scan3A_6 to %scan3A_8 step %scan3A_9 iter_args(%scan3A_13 = %scan3A, %scan3A_14 = %scan3A_5) -> (i32, i32)  : i32 {
      %mul3A_15 = arith.constant 1 : i32
      %mul3A_16 = arith.muli %scan3A_12, %mul3A_15 : i32
      %add3A_17 = arith.constant 0 : i32
      %add3A_18 = arith.addi %add3A_17, %mul3A_16 : i32
      %lt3A = arith.constant 512 : i32
      %lt3A_19 = arith.cmpi slt, %scan3A_13, %lt3A : i32
      %get3A = arith.index_cast %scan3A_13 : i32 to index
      %get3A_20 = tpu.vector_load %arg6[%get3A] {strides = array<i32>} : memref<528xi32, #tpu.memory_space<vmem>>, vector<16xi32>,
      %get3A_21 = arith.index_cast %scan3A_13 : i32 to index
      %get3A_22 = tpu.vector_load %arg7[%get3A_21] {strides = array<i32>} : memref<528xi32, #tpu.memory_space<vmem>>, vector<16xi32>,
      %ge3A = arith.constant 0 : i32
      %ge3A_23 = arith.cmpi sge, %scan3A_14, %ge3A : i32
      %slice3A = vector.extract_strided_slice %get3A_20 {offsets = [15], sizes = [1], strides = [1]} : vector<16xi32> to vector<1xi32>
      %squeeze3A = vector.extract %slice3A[0] : i32 from vector<1xi32>
      %add3A_24 = arith.constant 14 : i32
      %add3A_25 = arith.addi %scan3A_14, %add3A_24 : i32
      %mul3A_26 = arith.constant 128 : i32
      %mul3A_27 = arith.muli %add3A_25, %mul3A_26 : i32
      %lt3A_28 = arith.cmpi slt, %squeeze3A, %mul3A_27 : i32
      %and3A = arith.andi %ge3A_23, %lt3A_28 : i1
      %slice3A_29 = vector.extract_strided_slice %get3A_20 {offsets = [0], sizes = [1], strides = [1]} : vector<16xi32> to vector<1xi32>
      %squeeze3A_30 = vector.extract %slice3A_29[0] : i32 from vector<1xi32>
      %jit3A = arith.constant 128 : i32
      %div3A = arith.divsi %squeeze3A_30, %jit3A : i32
      %sign3A = arith.constant 0 : i32
      %sign3A_31 = arith.cmpi sgt, %squeeze3A_30, %sign3A : i32
      %sign3A_32 = arith.extui %sign3A_31 : i1 to i32
      %sign3A_33 = arith.constant 0 : i32
      %sign3A_34 = arith.cmpi slt, %squeeze3A_30, %sign3A_33 : i32
      %sign3A_35 = arith.extui %sign3A_34 : i1 to i32
      %sign3A_36 = arith.subi %sign3A_32, %sign3A_35 : i32
      %sign3A_37 = arith.constant 0 : i32
      %sign3A_38 = arith.cmpi sgt, %jit3A, %sign3A_37 : i32
      %sign3A_39 = arith.extui %sign3A_38 : i1 to i32
      %sign3A_40 = arith.constant 0 : i32
      %sign3A_41 = arith.cmpi slt, %jit3A, %sign3A_40 : i32
      %sign3A_42 = arith.extui %sign3A_41 : i1 to i32
      %sign3A_43 = arith.subi %sign3A_39, %sign3A_42 : i32
      %ne3A = arith.cmpi ne, %sign3A_36, %sign3A_43 : i32
      %rem3A = arith.remsi %squeeze3A_30, %jit3A : i32
      %ne3A_44 = arith.constant 0 : i32
      %ne3A_45 = arith.cmpi ne, %rem3A, %ne3A_44 : i32
      %and3A_46 = arith.andi %ne3A, %ne3A_45 : i1
      %sub3A = arith.constant 1 : i32
      %sub3A_47 = arith.subi %div3A, %sub3A : i32
      %select_n3A = arith.select %and3A_46, %sub3A_47, %div3A : i32
      %min3A = arith.constant 7799 : i32
      %min3A_48 = arith.minsi %select_n3A, %min3A : i32
      %select_n3A_49 = arith.select %and3A, %scan3A_14, %min3A_48 : i32
      %not3A = arith.constant true
      %not3A_50 = arith.xori %and3A, %not3A : i1
      %and3A_51 = arith.andi %lt3A_19, %not3A_50 : i1
      %mul3A_52 = arith.constant 128 : i32
      %mul3A_53 = arith.muli %select_n3A_49, %mul3A_52 : i32
      %multiple_of3A = tpu.assume_multiple %mul3A_53, 128 : i32
      %convert_element_type3A = arith.extui %and3A_51 : i1 to i32
      %cond3A = arith.constant 0 : i32
      %cond3A_54 = arith.cmpi ne, %convert_element_type3A, %cond3A : i32
      scf.if %cond3A_54 {
        %dma_start3A = arith.constant 0 : i32
        %dma_start3A_198 = arith.constant 0 : i32
        %dma_start3A_199 = tpu.memref_slice %arg8[%dma_start3A, %dma_start3A_198] : memref<64x1792xf32, #tpu.memory_space<vmem>> -> memref<32x1792xf32, #tpu.memory_space<vmem>>
        %dma_start3A_200 = arith.constant 0 : i32
        %dma_start3A_201 = tpu.memref_slice %arg2[%dma_start3A_200, %multiple_of3A] : memref<64x1000000xf32, #tpu.memory_space<hbm>> -> memref<32x1792xf32, #tpu.memory_space<hbm>>
        %dma_start3A_202 = arith.constant 0 : i32
        %dma_start3A_203 = arith.constant 0 : i32
        %dma_start3A_204 = tpu.memref_slice %arg8[%dma_start3A_202, %dma_start3A_203] : memref<64x1792xf32, #tpu.memory_space<vmem>> -> memref<32x1792xf32, #tpu.memory_space<vmem>>
        %dma_start3A_205 = arith.constant 0 : i32
        %dma_start3A_206 = tpu.memref_slice %arg2[%dma_start3A_205, %multiple_of3A] : memref<64x1000000xf32, #tpu.memory_space<hbm>> -> memref<32x1792xf32, #tpu.memory_space<hbm>>
        tpu.enqueue_dma source(%dma_start3A_206 : memref<32x1792xf32, #tpu.memory_space<hbm>>) target(%dma_start3A_204 : memref<32x1792xf32, #tpu.memory_space<vmem>>) target_semaphore(%arg10 : memref<!tpu.dma_semaphore, #tpu.memory_space<semaphore_mem>>)
        %dma_start3A_207 = arith.constant 32 : i32
        %dma_start3A_208 = arith.constant 0 : i32
        %dma_start3A_209 = tpu.memref_slice %arg8[%dma_start3A_207, %dma_start3A_208] : memref<64x1792xf32, #tpu.memory_space<vmem>> -> memref<32x1792xf32, #tpu.memory_space<vmem>>
        %dma_start3A_210 = arith.constant 32 : i32
        %dma_start3A_211 = tpu.memref_slice %arg2[%dma_start3A_210, %multiple_of3A] : memref<64x1000000xf32, #tpu.memory_space<hbm>> -> memref<32x1792xf32, #tpu.memory_space<hbm>>
        %dma_start3A_212 = arith.constant 32 : i32
        %dma_start3A_213 = arith.constant 0 : i32
        %dma_start3A_214 = tpu.memref_slice %arg8[%dma_start3A_212, %dma_start3A_213] : memref<64x1792xf32, #tpu.memory_space<vmem>> -> memref<32x1792xf32, #tpu.memory_space<vmem>>
        %dma_start3A_215 = arith.constant 32 : i32
        %dma_start3A_216 = tpu.memref_slice %arg2[%dma_start3A_215, %multiple_of3A] : memref<64x1000000xf32, #tpu.memory_space<hbm>> -> memref<32x1792xf32, #tpu.memory_space<hbm>>
        tpu.enqueue_dma source(%dma_start3A_216 : memref<32x1792xf32, #tpu.memory_space<hbm>>) target(%dma_start3A_214 : memref<32x1792xf32, #tpu.memory_space<vmem>>) target_semaphore(%arg11 : memref<!tpu.dma_semaphore, #tpu.memory_space<semaphore_mem>>)
        %dma_wait3A = arith.constant 0 : i32
        %dma_wait3A_217 = arith.constant 0 : i32
        %dma_wait3A_218 = tpu.memref_slice %arg8[%dma_wait3A, %dma_wait3A_217] : memref<64x1792xf32, #tpu.memory_space<vmem>> -> memref<32x1792xf32, #tpu.memory_space<vmem>>
        %dma_wait3A_219 = arith.constant 0 : i32
        %dma_wait3A_220 = tpu.memref_slice %arg2[%dma_wait3A_219, %multiple_of3A] : memref<64x1000000xf32, #tpu.memory_space<hbm>> -> memref<32x1792xf32, #tpu.memory_space<hbm>>
        %dma_wait3A_221 = arith.constant 0 : i32
        %dma_wait3A_222 = arith.constant 0 : i32
        %dma_wait3A_223 = tpu.memref_slice %arg8[%dma_wait3A_221, %dma_wait3A_222] : memref<64x1792xf32, #tpu.memory_space<vmem>> -> memref<32x1792xf32, #tpu.memory_space<vmem>>
        %dma_wait3A_224 = arith.constant 0 : i32
        %dma_wait3A_225 = tpu.memref_slice %arg2[%dma_wait3A_224, %multiple_of3A] : memref<64x1000000xf32, #tpu.memory_space<hbm>> -> memref<32x1792xf32, #tpu.memory_space<hbm>>
        tpu.wait_dma2 semaphore(%arg10 : memref<!tpu.dma_semaphore, #tpu.memory_space<semaphore_mem>>) src(%dma_wait3A_225 : memref<32x1792xf32, #tpu.memory_space<hbm>>) dst(%dma_wait3A_223 : memref<32x1792xf32, #tpu.memory_space<vmem>>)
      } else {
      }
      %add3A_55 = arith.constant 1792 : i32
      %add3A_56 = arith.addi %mul3A_53, %add3A_55 : i32
      %lt3A_57 = vector.broadcast %add3A_56 : i32 to vector<16xi32>
      %lt3A_58 = arith.cmpi slt, %get3A_20, %lt3A_57 : vector<16xi32>
      %all_reduce_population_count3A = tpu.all_reduce %lt3A_58 {dim = 0 : i64, kind = #tpu.reduction_kind<sum>} : vector<16xi1> -> vector<16xi32>
      %slice3A_59 = vector.extract_strided_slice %all_reduce_population_count3A {offsets = [0], sizes = [1], strides = [1]} : vector<16xi32> to vector<1xi32>
      %squeeze3A_60 = vector.extract %slice3A_59[0] : i32 from vector<1xi32>
      %slice3A_61 = vector.extract_strided_slice %get3A_20 {offsets = [0], sizes = [1], strides = [1]} : vector<16xi32> to vector<1xi32>
      %squeeze3A_62 = vector.extract %slice3A_61[0] : i32 from vector<1xi32>
      %sub3A_63 = arith.subi %squeeze3A_62, %mul3A_53 : i32
      %jit3A_64 = arith.constant 0 : i32
      %jit3A_65 = arith.constant 1791 : i32
      %max3A = arith.maxsi %jit3A_64, %sub3A_63 : i32
      %min3A_66 = arith.minsi %jit3A_65, %max3A : i32
      %broadcast_in_dim3A_67 = vector.broadcast %min3A_66 : i32 to vector<16xi32>
      %slice3A_68 = vector.extract_strided_slice %get3A_20 {offsets = [1], sizes = [1], strides = [1]} : vector<16xi32> to vector<1xi32>
      %squeeze3A_69 = vector.extract %slice3A_68[0] : i32 from vector<1xi32>
      %sub3A_70 = arith.subi %squeeze3A_69, %mul3A_53 : i32
      %jit3A_71 = arith.constant 0 : i32
      %jit3A_72 = arith.constant 1791 : i32
      %max3A_73 = arith.maxsi %jit3A_71, %sub3A_70 : i32
      %min3A_74 = arith.minsi %jit3A_72, %max3A_73 : i32
      %broadcast_in_dim3A_75 = vector.broadcast %min3A_74 : i32 to vector<16xi32>
      %slice3A_76 = vector.extract_strided_slice %get3A_20 {offsets = [2], sizes = [1], strides = [1]} : vector<16xi32> to vector<1xi32>
      %squeeze3A_77 = vector.extract %slice3A_76[0] : i32 from vector<1xi32>
      %sub3A_78 = arith.subi %squeeze3A_77, %mul3A_53 : i32
      %jit3A_79 = arith.constant 0 : i32
      %jit3A_80 = arith.constant 1791 : i32
      %max3A_81 = arith.maxsi %jit3A_79, %sub3A_78 : i32
      %min3A_82 = arith.minsi %jit3A_80, %max3A_81 : i32
      %broadcast_in_dim3A_83 = vector.broadcast %min3A_82 : i32 to vector<16xi32>
      %slice3A_84 = vector.extract_strided_slice %get3A_20 {offsets = [3], sizes = [1], strides = [1]} : vector<16xi32> to vector<1xi32>
      %squeeze3A_85 = vector.extract %slice3A_84[0] : i32 from vector<1xi32>
      %sub3A_86 = arith.subi %squeeze3A_85, %mul3A_53 : i32
      %jit3A_87 = arith.constant 0 : i32
      %jit3A_88 = arith.constant 1791 : i32
      %max3A_89 = arith.maxsi %jit3A_87, %sub3A_86 : i32
      %min3A_90 = arith.minsi %jit3A_88, %max3A_89 : i32
      %broadcast_in_dim3A_91 = vector.broadcast %min3A_90 : i32 to vector<16xi32>
      %slice3A_92 = vector.extract_strided_slice %get3A_20 {offsets = [4], sizes = [1], strides = [1]} : vector<16xi32> to vector<1xi32>
      %squeeze3A_93 = vector.extract %slice3A_92[0] : i32 from vector<1xi32>
      %sub3A_94 = arith.subi %squeeze3A_93, %mul3A_53 : i32
      %jit3A_95 = arith.constant 0 : i32
      %jit3A_96 = arith.constant 1791 : i32
      %max3A_97 = arith.maxsi %jit3A_95, %sub3A_94 : i32
      %min3A_98 = arith.minsi %jit3A_96, %max3A_97 : i32
      %broadcast_in_dim3A_99 = vector.broadcast %min3A_98 : i32 to vector<16xi32>
      %slice3A_100 = vector.extract_strided_slice %get3A_20 {offsets = [5], sizes = [1], strides = [1]} : vector<16xi32> to vector<1xi32>
      %squeeze3A_101 = vector.extract %slice3A_100[0] : i32 from vector<1xi32>
      %sub3A_102 = arith.subi %squeeze3A_101, %mul3A_53 : i32
      %jit3A_103 = arith.constant 0 : i32
      %jit3A_104 = arith.constant 1791 : i32
      %max3A_105 = arith.maxsi %jit3A_103, %sub3A_102 : i32
      %min3A_106 = arith.minsi %jit3A_104, %max3A_105 : i32
      %broadcast_in_dim3A_107 = vector.broadcast %min3A_106 : i32 to vector<16xi32>
      %slice3A_108 = vector.extract_strided_slice %get3A_20 {offsets = [6], sizes = [1], strides = [1]} : vector<16xi32> to vector<1xi32>
      %squeeze3A_109 = vector.extract %slice3A_108[0] : i32 from vector<1xi32>
      %sub3A_110 = arith.subi %squeeze3A_109, %mul3A_53 : i32
      %jit3A_111 = arith.constant 0 : i32
      %jit3A_112 = arith.constant 1791 : i32
      %max3A_113 = arith.maxsi %jit3A_111, %sub3A_110 : i32
      %min3A_114 = arith.minsi %jit3A_112, %max3A_113 : i32
      %broadcast_in_dim3A_115 = vector.broadcast %min3A_114 : i32 to vector<16xi32>
      %slice3A_116 = vector.extract_strided_slice %get3A_20 {offsets = [7], sizes = [1], strides = [1]} : vector<16xi32> to vector<1xi32>
      %squeeze3A_117 = vector.extract %slice3A_116[0] : i32 from vector<1xi32>
      %sub3A_118 = arith.subi %squeeze3A_117, %mul3A_53 : i32
      %jit3A_119 = arith.constant 0 : i32
      %jit3A_120 = arith.constant 1791 : i32
      %max3A_121 = arith.maxsi %jit3A_119, %sub3A_118 : i32
      %min3A_122 = arith.minsi %jit3A_120, %max3A_121 : i32
      %broadcast_in_dim3A_123 = vector.broadcast %min3A_122 : i32 to vector<16xi32>
      %slice3A_124 = vector.extract_strided_slice %get3A_20 {offsets = [8], sizes = [1], strides = [1]} : vector<16xi32> to vector<1xi32>
      %squeeze3A_125 = vector.extract %slice3A_124[0] : i32 from vector<1xi32>
      %sub3A_126 = arith.subi %squeeze3A_125, %mul3A_53 : i32
      %jit3A_127 = arith.constant 0 : i32
      %jit3A_128 = arith.constant 1791 : i32
      %max3A_129 = arith.maxsi %jit3A_127, %sub3A_126 : i32
      %min3A_130 = arith.minsi %jit3A_128, %max3A_129 : i32
      %broadcast_in_dim3A_131 = vector.broadcast %min3A_130 : i32 to vector<16xi32>
      %slice3A_132 = vector.extract_strided_slice %get3A_20 {offsets = [9], sizes = [1], strides = [1]} : vector<16xi32> to vector<1xi32>
      %squeeze3A_133 = vector.extract %slice3A_132[0] : i32 from vector<1xi32>
      %sub3A_134 = arith.subi %squeeze3A_133, %mul3A_53 : i32
      %jit3A_135 = arith.constant 0 : i32
      %jit3A_136 = arith.constant 1791 : i32
      %max3A_137 = arith.maxsi %jit3A_135, %sub3A_134 : i32
      %min3A_138 = arith.minsi %jit3A_136, %max3A_137 : i32
      %broadcast_in_dim3A_139 = vector.broadcast %min3A_138 : i32 to vector<16xi32>
      %slice3A_140 = vector.extract_strided_slice %get3A_20 {offsets = [10], sizes = [1], strides = [1]} : vector<16xi32> to vector<1xi32>
      %squeeze3A_141 = vector.extract %slice3A_140[0] : i32 from vector<1xi32>
      %sub3A_142 = arith.subi %squeeze3A_141, %mul3A_53 : i32
      %jit3A_143 = arith.constant 0 : i32
      %jit3A_144 = arith.constant 1791 : i32
      %max3A_145 = arith.maxsi %jit3A_143, %sub3A_142 : i32
      %min3A_146 = arith.minsi %jit3A_144, %max3A_145 : i32
      %broadcast_in_dim3A_147 = vector.broadcast %min3A_146 : i32 to vector<16xi32>
      %slice3A_148 = vector.extract_strided_slice %get3A_20 {offsets = [11], sizes = [1], strides = [1]} : vector<16xi32> to vector<1xi32>
      %squeeze3A_149 = vector.extract %slice3A_148[0] : i32 from vector<1xi32>
      %sub3A_150 = arith.subi %squeeze3A_149, %mul3A_53 : i32
      %jit3A_151 = arith.constant 0 : i32
      %jit3A_152 = arith.constant 1791 : i32
      %max3A_153 = arith.maxsi %jit3A_151, %sub3A_150 : i32
      %min3A_154 = arith.minsi %jit3A_152, %max3A_153 : i32
      %broadcast_in_dim3A_155 = vector.broadcast %min3A_154 : i32 to vector<16xi32>
      %slice3A_156 = vector.extract_strided_slice %get3A_20 {offsets = [12], sizes = [1], strides = [1]} : vector<16xi32> to vector<1xi32>
      %squeeze3A_157 = vector.extract %slice3A_156[0] : i32 from vector<1xi32>
      %sub3A_158 = arith.subi %squeeze3A_157, %mul3A_53 : i32
      %jit3A_159 = arith.constant 0 : i32
      %jit3A_160 = arith.constant 1791 : i32
      %max3A_161 = arith.maxsi %jit3A_159, %sub3A_158 : i32
      %min3A_162 = arith.minsi %jit3A_160, %max3A_161 : i32
      %broadcast_in_dim3A_163 = vector.broadcast %min3A_162 : i32 to vector<16xi32>
      %slice3A_164 = vector.extract_strided_slice %get3A_20 {offsets = [13], sizes = [1], strides = [1]} : vector<16xi32> to vector<1xi32>
      %squeeze3A_165 = vector.extract %slice3A_164[0] : i32 from vector<1xi32>
      %sub3A_166 = arith.subi %squeeze3A_165, %mul3A_53 : i32
      %jit3A_167 = arith.constant 0 : i32
      %jit3A_168 = arith.constant 1791 : i32
      %max3A_169 = arith.maxsi %jit3A_167, %sub3A_166 : i32
      %min3A_170 = arith.minsi %jit3A_168, %max3A_169 : i32
      %broadcast_in_dim3A_171 = vector.broadcast %min3A_170 : i32 to vector<16xi32>
      %slice3A_172 = vector.extract_strided_slice %get3A_20 {offsets = [14], sizes = [1], strides = [1]} : vector<16xi32> to vector<1xi32>
      %squeeze3A_173 = vector.extract %slice3A_172[0] : i32 from vector<1xi32>
      %sub3A_174 = arith.subi %squeeze3A_173, %mul3A_53 : i32
      %jit3A_175 = arith.constant 0 : i32
      %jit3A_176 = arith.constant 1791 : i32
      %max3A_177 = arith.maxsi %jit3A_175, %sub3A_174 : i32
      %min3A_178 = arith.minsi %jit3A_176, %max3A_177 : i32
      %broadcast_in_dim3A_179 = vector.broadcast %min3A_178 : i32 to vector<16xi32>
      %slice3A_180 = vector.extract_strided_slice %get3A_20 {offsets = [15], sizes = [1], strides = [1]} : vector<16xi32> to vector<1xi32>
      %squeeze3A_181 = vector.extract %slice3A_180[0] : i32 from vector<1xi32>
      %sub3A_182 = arith.subi %squeeze3A_181, %mul3A_53 : i32
      %jit3A_183 = arith.constant 0 : i32
      %jit3A_184 = arith.constant 1791 : i32
      %max3A_185 = arith.maxsi %jit3A_183, %sub3A_182 : i32
      %min3A_186 = arith.minsi %jit3A_184, %max3A_185 : i32
      %broadcast_in_dim3A_187 = vector.broadcast %min3A_186 : i32 to vector<16xi32>
      %convert_element_type3A_188 = arith.extui %lt3A_19 : i1 to i32
      %cond3A_189 = arith.constant 0 : i32
      %cond3A_190 = arith.cmpi ne, %convert_element_type3A_188, %cond3A_189 : i32
      scf.if %cond3A_190 {
        %add3A_198 = arith.constant 0 : i32
        %add3A_199 = vector.broadcast %add3A_198 : i32 to vector<16xi32>
        %add3A_200 = arith.addi %iota3A, %add3A_199 : vector<16xi32>
        %gather3A = tpu.vector_load_idx %arg8[%add3A_200, %broadcast_in_dim3A_67] : memref<64x1792xf32, #tpu.memory_space<vmem>>[vector<16xi32>, vector<16xi32>], vector<16xf32>,
        %swap3A_201 = arith.constant 0 : index
        %swap3A_202 = tpu.vector_load %arg9[%swap3A_201] {strides = array<i32>} : memref<1024xf32, #tpu.memory_space<vmem>>, vector<16xf32>,
        tpu.vector_store %arg9[%swap3A_201], %gather3A {strides = array<i32>} : memref<1024xf32, #tpu.memory_space<vmem>>, vector<16xf32>,
        %add3A_203 = arith.constant 16 : i32
        %add3A_204 = vector.broadcast %add3A_203 : i32 to vector<16xi32>
        %add3A_205 = arith.addi %iota3A, %add3A_204 : vector<16xi32>
        %gather3A_206 = tpu.vector_load_idx %arg8[%add3A_205, %broadcast_in_dim3A_67] : memref<64x1792xf32, #tpu.memory_space<vmem>>[vector<16xi32>, vector<16xi32>], vector<16xf32>,
        %swap3A_207 = arith.constant 16 : index
        %swap3A_208 = tpu.vector_load %arg9[%swap3A_207] {strides = array<i32>} : memref<1024xf32, #tpu.memory_space<vmem>>, vector<16xf32>,
        tpu.vector_store %arg9[%swap3A_207], %gather3A_206 {strides = array<i32>} : memref<1024xf32, #tpu.memory_space<vmem>>, vector<16xf32>,
        %add3A_209 = arith.constant 0 : i32
        %add3A_210 = vector.broadcast %add3A_209 : i32 to vector<16xi32>
        %add3A_211 = arith.addi %iota3A, %add3A_210 : vector<16xi32>
        %gather3A_212 = tpu.vector_load_idx %arg8[%add3A_211, %broadcast_in_dim3A_75] : memref<64x1792xf32, #tpu.memory_space<vmem>>[vector<16xi32>, vector<16xi32>], vector<16xf32>,
        %swap3A_213 = arith.constant 64 : index
        %swap3A_214 = tpu.vector_load %arg9[%swap3A_213] {strides = array<i32>} : memref<1024xf32, #tpu.memory_space<vmem>>, vector<16xf32>,
        tpu.vector_store %arg9[%swap3A_213], %gather3A_212 {strides = array<i32>} : memref<1024xf32, #tpu.memory_space<vmem>>, vector<16xf32>,
        %add3A_215 = arith.constant 16 : i32
        %add3A_216 = vector.broadcast %add3A_215 : i32 to vector<16xi32>
        %add3A_217 = arith.addi %iota3A, %add3A_216 : vector<16xi32>
        %gather3A_218 = tpu.vector_load_idx %arg8[%add3A_217, %broadcast_in_dim3A_75] : memref<64x1792xf32, #tpu.memory_space<vmem>>[vector<16xi32>, vector<16xi32>], vector<16xf32>,
        %swap3A_219 = arith.constant 80 : index
        %swap3A_220 = tpu.vector_load %arg9[%swap3A_219] {strides = array<i32>} : memref<1024xf32, #tpu.memory_space<vmem>>, vector<16xf32>,
        tpu.vector_store %arg9[%swap3A_219], %gather3A_218 {strides = array<i32>} : memref<1024xf32, #tpu.memory_space<vmem>>, vector<16xf32>,
        %add3A_221 = arith.constant 0 : i32
        %add3A_222 = vector.broadcast %add3A_221 : i32 to vector<16xi32>
        %add3A_223 = arith.addi %iota3A, %add3A_222 : vector<16xi32>
        %gather3A_224 = tpu.vector_load_idx %arg8[%add3A_223, %broadcast_in_dim3A_83] : memref<64x1792xf32, #tpu.memory_space<vmem>>[vector<16xi32>, vector<16xi32>], vector<16xf32>,
        %swap3A_225 = arith.constant 128 : index
        %swap3A_226 = tpu.vector_load %arg9[%swap3A_225] {strides = array<i32>} : memref<1024xf32, #tpu.memory_space<vmem>>, vector<16xf32>,
        tpu.vector_store %arg9[%swap3A_225], %gather3A_224 {strides = array<i32>} : memref<1024xf32, #tpu.memory_space<vmem>>, vector<16xf32>,
        %add3A_227 = arith.constant 16 : i32
        %add3A_228 = vector.broadcast %add3A_227 : i32 to vector<16xi32>
        %add3A_229 = arith.addi %iota3A, %add3A_228 : vector<16xi32>
        %gather3A_230 = tpu.vector_load_idx %arg8[%add3A_229, %broadcast_in_dim3A_83] : memref<64x1792xf32, #tpu.memory_space<vmem>>[vector<16xi32>, vector<16xi32>], vector<16xf32>,
        %swap3A_231 = arith.constant 144 : index
        %swap3A_232 = tpu.vector_load %arg9[%swap3A_231] {strides = array<i32>} : memref<1024xf32, #tpu.memory_space<vmem>>, vector<16xf32>,
        tpu.vector_store %arg9[%swap3A_231], %gather3A_230 {strides = array<i32>} : memref<1024xf32, #tpu.memory_space<vmem>>, vector<16xf32>,
        %add3A_233 = arith.constant 0 : i32
        %add3A_234 = vector.broadcast %add3A_233 : i32 to vector<16xi32>
        %add3A_235 = arith.addi %iota3A, %add3A_234 : vector<16xi32>
        %gather3A_236 = tpu.vector_load_idx %arg8[%add3A_235, %broadcast_in_dim3A_91] : memref<64x1792xf32, #tpu.memory_space<vmem>>[vector<16xi32>, vector<16xi32>], vector<16xf32>,
        %swap3A_237 = arith.constant 192 : index
        %swap3A_238 = tpu.vector_load %arg9[%swap3A_237] {strides = array<i32>} : memref<1024xf32, #tpu.memory_space<vmem>>, vector<16xf32>,
        tpu.vector_store %arg9[%swap3A_237], %gather3A_236 {strides = array<i32>} : memref<1024xf32, #tpu.memory_space<vmem>>, vector<16xf32>,
        %add3A_239 = arith.constant 16 : i32
        %add3A_240 = vector.broadcast %add3A_239 : i32 to vector<16xi32>
        %add3A_241 = arith.addi %iota3A, %add3A_240 : vector<16xi32>
        %gather3A_242 = tpu.vector_load_idx %arg8[%add3A_241, %broadcast_in_dim3A_91] : memref<64x1792xf32, #tpu.memory_space<vmem>>[vector<16xi32>, vector<16xi32>], vector<16xf32>,
        %swap3A_243 = arith.constant 208 : index
        %swap3A_244 = tpu.vector_load %arg9[%swap3A_243] {strides = array<i32>} : memref<1024xf32, #tpu.memory_space<vmem>>, vector<16xf32>,
        tpu.vector_store %arg9[%swap3A_243], %gather3A_242 {strides = array<i32>} : memref<1024xf32, #tpu.memory_space<vmem>>, vector<16xf32>,
        %add3A_245 = arith.constant 0 : i32
        %add3A_246 = vector.broadcast %add3A_245 : i32 to vector<16xi32>
        %add3A_247 = arith.addi %iota3A, %add3A_246 : vector<16xi32>
        %gather3A_248 = tpu.vector_load_idx %arg8[%add3A_247, %broadcast_in_dim3A_99] : memref<64x1792xf32, #tpu.memory_space<vmem>>[vector<16xi32>, vector<16xi32>], vector<16xf32>,
        %swap3A_249 = arith.constant 256 : index
        %swap3A_250 = tpu.vector_load %arg9[%swap3A_249] {strides = array<i32>} : memref<1024xf32, #tpu.memory_space<vmem>>, vector<16xf32>,
        tpu.vector_store %arg9[%swap3A_249], %gather3A_248 {strides = array<i32>} : memref<1024xf32, #tpu.memory_space<vmem>>, vector<16xf32>,
        %add3A_251 = arith.constant 16 : i32
        %add3A_252 = vector.broadcast %add3A_251 : i32 to vector<16xi32>
        %add3A_253 = arith.addi %iota3A, %add3A_252 : vector<16xi32>
        %gather3A_254 = tpu.vector_load_idx %arg8[%add3A_253, %broadcast_in_dim3A_99] : memref<64x1792xf32, #tpu.memory_space<vmem>>[vector<16xi32>, vector<16xi32>], vector<16xf32>,
        %swap3A_255 = arith.constant 272 : index
        %swap3A_256 = tpu.vector_load %arg9[%swap3A_255] {strides = array<i32>} : memref<1024xf32, #tpu.memory_space<vmem>>, vector<16xf32>,
        tpu.vector_store %arg9[%swap3A_255], %gather3A_254 {strides = array<i32>} : memref<1024xf32, #tpu.memory_space<vmem>>, vector<16xf32>,
        %add3A_257 = arith.constant 0 : i32
        %add3A_258 = vector.broadcast %add3A_257 : i32 to vector<16xi32>
        %add3A_259 = arith.addi %iota3A, %add3A_258 : vector<16xi32>
        %gather3A_260 = tpu.vector_load_idx %arg8[%add3A_259, %broadcast_in_dim3A_107] : memref<64x1792xf32, #tpu.memory_space<vmem>>[vector<16xi32>, vector<16xi32>], vector<16xf32>,
        %swap3A_261 = arith.constant 320 : index
        %swap3A_262 = tpu.vector_load %arg9[%swap3A_261] {strides = array<i32>} : memref<1024xf32, #tpu.memory_space<vmem>>, vector<16xf32>,
        tpu.vector_store %arg9[%swap3A_261], %gather3A_260 {strides = array<i32>} : memref<1024xf32, #tpu.memory_space<vmem>>, vector<16xf32>,
        %add3A_263 = arith.constant 16 : i32
        %add3A_264 = vector.broadcast %add3A_263 : i32 to vector<16xi32>
        %add3A_265 = arith.addi %iota3A, %add3A_264 : vector<16xi32>
        %gather3A_266 = tpu.vector_load_idx %arg8[%add3A_265, %broadcast_in_dim3A_107] : memref<64x1792xf32, #tpu.memory_space<vmem>>[vector<16xi32>, vector<16xi32>], vector<16xf32>,
        %swap3A_267 = arith.constant 336 : index
        %swap3A_268 = tpu.vector_load %arg9[%swap3A_267] {strides = array<i32>} : memref<1024xf32, #tpu.memory_space<vmem>>, vector<16xf32>,
        tpu.vector_store %arg9[%swap3A_267], %gather3A_266 {strides = array<i32>} : memref<1024xf32, #tpu.memory_space<vmem>>, vector<16xf32>,
        %add3A_269 = arith.constant 0 : i32
        %add3A_270 = vector.broadcast %add3A_269 : i32 to vector<16xi32>
        %add3A_271 = arith.addi %iota3A, %add3A_270 : vector<16xi32>
        %gather3A_272 = tpu.vector_load_idx %arg8[%add3A_271, %broadcast_in_dim3A_115] : memref<64x1792xf32, #tpu.memory_space<vmem>>[vector<16xi32>, vector<16xi32>], vector<16xf32>,
        %swap3A_273 = arith.constant 384 : index
        %swap3A_274 = tpu.vector_load %arg9[%swap3A_273] {strides = array<i32>} : memref<1024xf32, #tpu.memory_space<vmem>>, vector<16xf32>,
        tpu.vector_store %arg9[%swap3A_273], %gather3A_272 {strides = array<i32>} : memref<1024xf32, #tpu.memory_space<vmem>>, vector<16xf32>,
        %add3A_275 = arith.constant 16 : i32
        %add3A_276 = vector.broadcast %add3A_275 : i32 to vector<16xi32>
        %add3A_277 = arith.addi %iota3A, %add3A_276 : vector<16xi32>
        %gather3A_278 = tpu.vector_load_idx %arg8[%add3A_277, %broadcast_in_dim3A_115] : memref<64x1792xf32, #tpu.memory_space<vmem>>[vector<16xi32>, vector<16xi32>], vector<16xf32>,
        %swap3A_279 = arith.constant 400 : index
        %swap3A_280 = tpu.vector_load %arg9[%swap3A_279] {strides = array<i32>} : memref<1024xf32, #tpu.memory_space<vmem>>, vector<16xf32>,
        tpu.vector_store %arg9[%swap3A_279], %gather3A_278 {strides = array<i32>} : memref<1024xf32, #tpu.memory_space<vmem>>, vector<16xf32>,
        %add3A_281 = arith.constant 0 : i32
        %add3A_282 = vector.broadcast %add3A_281 : i32 to vector<16xi32>
        %add3A_283 = arith.addi %iota3A, %add3A_282 : vector<16xi32>
        %gather3A_284 = tpu.vector_load_idx %arg8[%add3A_283, %broadcast_in_dim3A_123] : memref<64x1792xf32, #tpu.memory_space<vmem>>[vector<16xi32>, vector<16xi32>], vector<16xf32>,
        %swap3A_285 = arith.constant 448 : index
        %swap3A_286 = tpu.vector_load %arg9[%swap3A_285] {strides = array<i32>} : memref<1024xf32, #tpu.memory_space<vmem>>, vector<16xf32>,
        tpu.vector_store %arg9[%swap3A_285], %gather3A_284 {strides = array<i32>} : memref<1024xf32, #tpu.memory_space<vmem>>, vector<16xf32>,
        %add3A_287 = arith.constant 16 : i32
        %add3A_288 = vector.broadcast %add3A_287 : i32 to vector<16xi32>
        %add3A_289 = arith.addi %iota3A, %add3A_288 : vector<16xi32>
        %gather3A_290 = tpu.vector_load_idx %arg8[%add3A_289, %broadcast_in_dim3A_123] : memref<64x1792xf32, #tpu.memory_space<vmem>>[vector<16xi32>, vector<16xi32>], vector<16xf32>,
        %swap3A_291 = arith.constant 464 : index
        %swap3A_292 = tpu.vector_load %arg9[%swap3A_291] {strides = array<i32>} : memref<1024xf32, #tpu.memory_space<vmem>>, vector<16xf32>,
        tpu.vector_store %arg9[%swap3A_291], %gather3A_290 {strides = array<i32>} : memref<1024xf32, #tpu.memory_space<vmem>>, vector<16xf32>,
        %add3A_293 = arith.constant 0 : i32
        %add3A_294 = vector.broadcast %add3A_293 : i32 to vector<16xi32>
        %add3A_295 = arith.addi %iota3A, %add3A_294 : vector<16xi32>
        %gather3A_296 = tpu.vector_load_idx %arg8[%add3A_295, %broadcast_in_dim3A_131] : memref<64x1792xf32, #tpu.memory_space<vmem>>[vector<16xi32>, vector<16xi32>], vector<16xf32>,
        %swap3A_297 = arith.constant 512 : index
        %swap3A_298 = tpu.vector_load %arg9[%swap3A_297] {strides = array<i32>} : memref<1024xf32, #tpu.memory_space<vmem>>, vector<16xf32>,
        tpu.vector_store %arg9[%swap3A_297], %gather3A_296 {strides = array<i32>} : memref<1024xf32, #tpu.memory_space<vmem>>, vector<16xf32>,
        %add3A_299 = arith.constant 16 : i32
        %add3A_300 = vector.broadcast %add3A_299 : i32 to vector<16xi32>
        %add3A_301 = arith.addi %iota3A, %add3A_300 : vector<16xi32>
        %gather3A_302 = tpu.vector_load_idx %arg8[%add3A_301, %broadcast_in_dim3A_131] : memref<64x1792xf32, #tpu.memory_space<vmem>>[vector<16xi32>, vector<16xi32>], vector<16xf32>,
        %swap3A_303 = arith.constant 528 : index
        %swap3A_304 = tpu.vector_load %arg9[%swap3A_303] {strides = array<i32>} : memref<1024xf32, #tpu.memory_space<vmem>>, vector<16xf32>,
        tpu.vector_store %arg9[%swap3A_303], %gather3A_302 {strides = array<i32>} : memref<1024xf32, #tpu.memory_space<vmem>>, vector<16xf32>,
        %add3A_305 = arith.constant 0 : i32
        %add3A_306 = vector.broadcast %add3A_305 : i32 to vector<16xi32>
        %add3A_307 = arith.addi %iota3A, %add3A_306 : vector<16xi32>
        %gather3A_308 = tpu.vector_load_idx %arg8[%add3A_307, %broadcast_in_dim3A_139] : memref<64x1792xf32, #tpu.memory_space<vmem>>[vector<16xi32>, vector<16xi32>], vector<16xf32>,
        %swap3A_309 = arith.constant 576 : index
        %swap3A_310 = tpu.vector_load %arg9[%swap3A_309] {strides = array<i32>} : memref<1024xf32, #tpu.memory_space<vmem>>, vector<16xf32>,
        tpu.vector_store %arg9[%swap3A_309], %gather3A_308 {strides = array<i32>} : memref<1024xf32, #tpu.memory_space<vmem>>, vector<16xf32>,
        %add3A_311 = arith.constant 16 : i32
        %add3A_312 = vector.broadcast %add3A_311 : i32 to vector<16xi32>
        %add3A_313 = arith.addi %iota3A, %add3A_312 : vector<16xi32>
        %gather3A_314 = tpu.vector_load_idx %arg8[%add3A_313, %broadcast_in_dim3A_139] : memref<64x1792xf32, #tpu.memory_space<vmem>>[vector<16xi32>, vector<16xi32>], vector<16xf32>,
        %swap3A_315 = arith.constant 592 : index
        %swap3A_316 = tpu.vector_load %arg9[%swap3A_315] {strides = array<i32>} : memref<1024xf32, #tpu.memory_space<vmem>>, vector<16xf32>,
        tpu.vector_store %arg9[%swap3A_315], %gather3A_314 {strides = array<i32>} : memref<1024xf32, #tpu.memory_space<vmem>>, vector<16xf32>,
        %add3A_317 = arith.constant 0 : i32
        %add3A_318 = vector.broadcast %add3A_317 : i32 to vector<16xi32>
        %add3A_319 = arith.addi %iota3A, %add3A_318 : vector<16xi32>
        %gather3A_320 = tpu.vector_load_idx %arg8[%add3A_319, %broadcast_in_dim3A_147] : memref<64x1792xf32, #tpu.memory_space<vmem>>[vector<16xi32>, vector<16xi32>], vector<16xf32>,
        %swap3A_321 = arith.constant 640 : index
        %swap3A_322 = tpu.vector_load %arg9[%swap3A_321] {strides = array<i32>} : memref<1024xf32, #tpu.memory_space<vmem>>, vector<16xf32>,
        tpu.vector_store %arg9[%swap3A_321], %gather3A_320 {strides = array<i32>} : memref<1024xf32, #tpu.memory_space<vmem>>, vector<16xf32>,
        %add3A_323 = arith.constant 16 : i32
        %add3A_324 = vector.broadcast %add3A_323 : i32 to vector<16xi32>
        %add3A_325 = arith.addi %iota3A, %add3A_324 : vector<16xi32>
        %gather3A_326 = tpu.vector_load_idx %arg8[%add3A_325, %broadcast_in_dim3A_147] : memref<64x1792xf32, #tpu.memory_space<vmem>>[vector<16xi32>, vector<16xi32>], vector<16xf32>,
        %swap3A_327 = arith.constant 656 : index
        %swap3A_328 = tpu.vector_load %arg9[%swap3A_327] {strides = array<i32>} : memref<1024xf32, #tpu.memory_space<vmem>>, vector<16xf32>,
        tpu.vector_store %arg9[%swap3A_327], %gather3A_326 {strides = array<i32>} : memref<1024xf32, #tpu.memory_space<vmem>>, vector<16xf32>,
        %add3A_329 = arith.constant 0 : i32
        %add3A_330 = vector.broadcast %add3A_329 : i32 to vector<16xi32>
        %add3A_331 = arith.addi %iota3A, %add3A_330 : vector<16xi32>
        %gather3A_332 = tpu.vector_load_idx %arg8[%add3A_331, %broadcast_in_dim3A_155] : memref<64x1792xf32, #tpu.memory_space<vmem>>[vector<16xi32>, vector<16xi32>], vector<16xf32>,
        %swap3A_333 = arith.constant 704 : index
        %swap3A_334 = tpu.vector_load %arg9[%swap3A_333] {strides = array<i32>} : memref<1024xf32, #tpu.memory_space<vmem>>, vector<16xf32>,
        tpu.vector_store %arg9[%swap3A_333], %gather3A_332 {strides = array<i32>} : memref<1024xf32, #tpu.memory_space<vmem>>, vector<16xf32>,
        %add3A_335 = arith.constant 16 : i32
        %add3A_336 = vector.broadcast %add3A_335 : i32 to vector<16xi32>
        %add3A_337 = arith.addi %iota3A, %add3A_336 : vector<16xi32>
        %gather3A_338 = tpu.vector_load_idx %arg8[%add3A_337, %broadcast_in_dim3A_155] : memref<64x1792xf32, #tpu.memory_space<vmem>>[vector<16xi32>, vector<16xi32>], vector<16xf32>,
        %swap3A_339 = arith.constant 720 : index
        %swap3A_340 = tpu.vector_load %arg9[%swap3A_339] {strides = array<i32>} : memref<1024xf32, #tpu.memory_space<vmem>>, vector<16xf32>,
        tpu.vector_store %arg9[%swap3A_339], %gather3A_338 {strides = array<i32>} : memref<1024xf32, #tpu.memory_space<vmem>>, vector<16xf32>,
        %add3A_341 = arith.constant 0 : i32
        %add3A_342 = vector.broadcast %add3A_341 : i32 to vector<16xi32>
        %add3A_343 = arith.addi %iota3A, %add3A_342 : vector<16xi32>
        %gather3A_344 = tpu.vector_load_idx %arg8[%add3A_343, %broadcast_in_dim3A_163] : memref<64x1792xf32, #tpu.memory_space<vmem>>[vector<16xi32>, vector<16xi32>], vector<16xf32>,
        %swap3A_345 = arith.constant 768 : index
        %swap3A_346 = tpu.vector_load %arg9[%swap3A_345] {strides = array<i32>} : memref<1024xf32, #tpu.memory_space<vmem>>, vector<16xf32>,
        tpu.vector_store %arg9[%swap3A_345], %gather3A_344 {strides = array<i32>} : memref<1024xf32, #tpu.memory_space<vmem>>, vector<16xf32>,
        %add3A_347 = arith.constant 16 : i32
        %add3A_348 = vector.broadcast %add3A_347 : i32 to vector<16xi32>
        %add3A_349 = arith.addi %iota3A, %add3A_348 : vector<16xi32>
        %gather3A_350 = tpu.vector_load_idx %arg8[%add3A_349, %broadcast_in_dim3A_163] : memref<64x1792xf32, #tpu.memory_space<vmem>>[vector<16xi32>, vector<16xi32>], vector<16xf32>,
        %swap3A_351 = arith.constant 784 : index
        %swap3A_352 = tpu.vector_load %arg9[%swap3A_351] {strides = array<i32>} : memref<1024xf32, #tpu.memory_space<vmem>>, vector<16xf32>,
        tpu.vector_store %arg9[%swap3A_351], %gather3A_350 {strides = array<i32>} : memref<1024xf32, #tpu.memory_space<vmem>>, vector<16xf32>,
        %add3A_353 = arith.constant 0 : i32
        %add3A_354 = vector.broadcast %add3A_353 : i32 to vector<16xi32>
        %add3A_355 = arith.addi %iota3A, %add3A_354 : vector<16xi32>
        %gather3A_356 = tpu.vector_load_idx %arg8[%add3A_355, %broadcast_in_dim3A_171] : memref<64x1792xf32, #tpu.memory_space<vmem>>[vector<16xi32>, vector<16xi32>], vector<16xf32>,
        %swap3A_357 = arith.constant 832 : index
        %swap3A_358 = tpu.vector_load %arg9[%swap3A_357] {strides = array<i32>} : memref<1024xf32, #tpu.memory_space<vmem>>, vector<16xf32>,
        tpu.vector_store %arg9[%swap3A_357], %gather3A_356 {strides = array<i32>} : memref<1024xf32, #tpu.memory_space<vmem>>, vector<16xf32>,
        %add3A_359 = arith.constant 16 : i32
        %add3A_360 = vector.broadcast %add3A_359 : i32 to vector<16xi32>
        %add3A_361 = arith.addi %iota3A, %add3A_360 : vector<16xi32>
        %gather3A_362 = tpu.vector_load_idx %arg8[%add3A_361, %broadcast_in_dim3A_171] : memref<64x1792xf32, #tpu.memory_space<vmem>>[vector<16xi32>, vector<16xi32>], vector<16xf32>,
        %swap3A_363 = arith.constant 848 : index
        %swap3A_364 = tpu.vector_load %arg9[%swap3A_363] {strides = array<i32>} : memref<1024xf32, #tpu.memory_space<vmem>>, vector<16xf32>,
        tpu.vector_store %arg9[%swap3A_363], %gather3A_362 {strides = array<i32>} : memref<1024xf32, #tpu.memory_space<vmem>>, vector<16xf32>,
        %add3A_365 = arith.constant 0 : i32
        %add3A_366 = vector.broadcast %add3A_365 : i32 to vector<16xi32>
        %add3A_367 = arith.addi %iota3A, %add3A_366 : vector<16xi32>
        %gather3A_368 = tpu.vector_load_idx %arg8[%add3A_367, %broadcast_in_dim3A_179] : memref<64x1792xf32, #tpu.memory_space<vmem>>[vector<16xi32>, vector<16xi32>], vector<16xf32>,
        %swap3A_369 = arith.constant 896 : index
        %swap3A_370 = tpu.vector_load %arg9[%swap3A_369] {strides = array<i32>} : memref<1024xf32, #tpu.memory_space<vmem>>, vector<16xf32>,
        tpu.vector_store %arg9[%swap3A_369], %gather3A_368 {strides = array<i32>} : memref<1024xf32, #tpu.memory_space<vmem>>, vector<16xf32>,
        %add3A_371 = arith.constant 16 : i32
        %add3A_372 = vector.broadcast %add3A_371 : i32 to vector<16xi32>
        %add3A_373 = arith.addi %iota3A, %add3A_372 : vector<16xi32>
        %gather3A_374 = tpu.vector_load_idx %arg8[%add3A_373, %broadcast_in_dim3A_179] : memref<64x1792xf32, #tpu.memory_space<vmem>>[vector<16xi32>, vector<16xi32>], vector<16xf32>,
        %swap3A_375 = arith.constant 912 : index
        %swap3A_376 = tpu.vector_load %arg9[%swap3A_375] {strides = array<i32>} : memref<1024xf32, #tpu.memory_space<vmem>>, vector<16xf32>,
        tpu.vector_store %arg9[%swap3A_375], %gather3A_374 {strides = array<i32>} : memref<1024xf32, #tpu.memory_space<vmem>>, vector<16xf32>,
        %add3A_377 = arith.constant 0 : i32
        %add3A_378 = vector.broadcast %add3A_377 : i32 to vector<16xi32>
        %add3A_379 = arith.addi %iota3A, %add3A_378 : vector<16xi32>
        %gather3A_380 = tpu.vector_load_idx %arg8[%add3A_379, %broadcast_in_dim3A_187] : memref<64x1792xf32, #tpu.memory_space<vmem>>[vector<16xi32>, vector<16xi32>], vector<16xf32>,
        %swap3A_381 = arith.constant 960 : index
        %swap3A_382 = tpu.vector_load %arg9[%swap3A_381] {strides = array<i32>} : memref<1024xf32, #tpu.memory_space<vmem>>, vector<16xf32>,
        tpu.vector_store %arg9[%swap3A_381], %gather3A_380 {strides = array<i32>} : memref<1024xf32, #tpu.memory_space<vmem>>, vector<16xf32>,
        %add3A_383 = arith.constant 16 : i32
        %add3A_384 = vector.broadcast %add3A_383 : i32 to vector<16xi32>
        %add3A_385 = arith.addi %iota3A, %add3A_384 : vector<16xi32>
        %gather3A_386 = tpu.vector_load_idx %arg8[%add3A_385, %broadcast_in_dim3A_187] : memref<64x1792xf32, #tpu.memory_space<vmem>>[vector<16xi32>, vector<16xi32>], vector<16xf32>,
        %swap3A_387 = arith.constant 976 : index
        %swap3A_388 = tpu.vector_load %arg9[%swap3A_387] {strides = array<i32>} : memref<1024xf32, #tpu.memory_space<vmem>>, vector<16xf32>,
        tpu.vector_store %arg9[%swap3A_387], %gather3A_386 {strides = array<i32>} : memref<1024xf32, #tpu.memory_space<vmem>>, vector<16xf32>,
      } else {
      }
      %convert_element_type3A_191 = arith.extui %and3A_51 : i1 to i32
      %cond3A_192 = arith.constant 0 : i32
      %cond3A_193 = arith.cmpi ne, %convert_element_type3A_191, %cond3A_192 : i32
      scf.if %cond3A_193 {
        %dma_wait3A = arith.constant 32 : i32
        %dma_wait3A_198 = arith.constant 0 : i32
        %dma_wait3A_199 = tpu.memref_slice %arg8[%dma_wait3A, %dma_wait3A_198] : memref<64x1792xf32, #tpu.memory_space<vmem>> -> memref<32x1792xf32, #tpu.memory_space<vmem>>
        %dma_wait3A_200 = arith.constant 32 : i32
        %dma_wait3A_201 = tpu.memref_slice %arg2[%dma_wait3A_200, %multiple_of3A] : memref<64x1000000xf32, #tpu.memory_space<hbm>> -> memref<32x1792xf32, #tpu.memory_space<hbm>>
        %dma_wait3A_202 = arith.constant 32 : i32
        %dma_wait3A_203 = arith.constant 0 : i32
        %dma_wait3A_204 = tpu.memref_slice %arg8[%dma_wait3A_202, %dma_wait3A_203] : memref<64x1792xf32, #tpu.memory_space<vmem>> -> memref<32x1792xf32, #tpu.memory_space<vmem>>
        %dma_wait3A_205 = arith.constant 32 : i32
        %dma_wait3A_206 = tpu.memref_slice %arg2[%dma_wait3A_205, %multiple_of3A] : memref<64x1000000xf32, #tpu.memory_space<hbm>> -> memref<32x1792xf32, #tpu.memory_space<hbm>>
        tpu.wait_dma2 semaphore(%arg11 : memref<!tpu.dma_semaphore, #tpu.memory_space<semaphore_mem>>) src(%dma_wait3A_206 : memref<32x1792xf32, #tpu.memory_space<hbm>>) dst(%dma_wait3A_204 : memref<32x1792xf32, #tpu.memory_space<vmem>>)
      } else {
      }
      %convert_element_type3A_194 = arith.extui %lt3A_19 : i1 to i32
      %cond3A_195 = arith.constant 0 : i32
      %cond3A_196 = arith.cmpi ne, %convert_element_type3A_194, %cond3A_195 : i32
      scf.if %cond3A_196 {
        %add3A_198 = arith.constant 32 : i32
        %add3A_199 = vector.broadcast %add3A_198 : i32 to vector<16xi32>
        %add3A_200 = arith.addi %iota3A, %add3A_199 : vector<16xi32>
        %gather3A = tpu.vector_load_idx %arg8[%add3A_200, %broadcast_in_dim3A_67] : memref<64x1792xf32, #tpu.memory_space<vmem>>[vector<16xi32>, vector<16xi32>], vector<16xf32>,
        %swap3A_201 = arith.constant 32 : index
        %swap3A_202 = tpu.vector_load %arg9[%swap3A_201] {strides = array<i32>} : memref<1024xf32, #tpu.memory_space<vmem>>, vector<16xf32>,
        tpu.vector_store %arg9[%swap3A_201], %gather3A {strides = array<i32>} : memref<1024xf32, #tpu.memory_space<vmem>>, vector<16xf32>,
        %add3A_203 = arith.constant 48 : i32
        %add3A_204 = vector.broadcast %add3A_203 : i32 to vector<16xi32>
        %add3A_205 = arith.addi %iota3A, %add3A_204 : vector<16xi32>
        %gather3A_206 = tpu.vector_load_idx %arg8[%add3A_205, %broadcast_in_dim3A_67] : memref<64x1792xf32, #tpu.memory_space<vmem>>[vector<16xi32>, vector<16xi32>], vector<16xf32>,
        %swap3A_207 = arith.constant 48 : index
        %swap3A_208 = tpu.vector_load %arg9[%swap3A_207] {strides = array<i32>} : memref<1024xf32, #tpu.memory_space<vmem>>, vector<16xf32>,
        tpu.vector_store %arg9[%swap3A_207], %gather3A_206 {strides = array<i32>} : memref<1024xf32, #tpu.memory_space<vmem>>, vector<16xf32>,
        %gt3A = arith.constant 0 : i32
        %gt3A_209 = arith.cmpi sgt, %squeeze3A_60, %gt3A : i32
        %slice3A_210 = vector.extract_strided_slice %get3A_22 {offsets = [0], sizes = [1], strides = [1]} : vector<16xi32> to vector<1xi32>
        %squeeze3A_211 = vector.extract %slice3A_210[0] : i32 from vector<1xi32>
        %jit3A_212 = arith.constant 16384 : i32
        %select_n3A_213 = arith.select %gt3A_209, %squeeze3A_211, %jit3A_212 : i32
        %mul3A_214 = arith.constant 64 : i32
        %mul3A_215 = arith.muli %select_n3A_213, %mul3A_214 : i32
        %dma_start3A = arith.constant 0 : i32
        %dma_start3A_216 = tpu.memref_slice %arg9[%dma_start3A] : memref<1024xf32, #tpu.memory_space<vmem>> -> memref<64xf32, #tpu.memory_space<vmem>>
        %dma_start3A_217 = tpu.memref_slice %arg5[%mul3A_215] : memref<1048640xf32, #tpu.memory_space<hbm>> -> memref<64xf32, #tpu.memory_space<hbm>>
        %dma_start3A_218 = tpu.memref_slice %arg5[%mul3A_215] : memref<1048640xf32, #tpu.memory_space<hbm>> -> memref<64xf32, #tpu.memory_space<hbm>>
        %dma_start3A_219 = arith.constant 0 : i32
        %dma_start3A_220 = tpu.memref_slice %arg9[%dma_start3A_219] : memref<1024xf32, #tpu.memory_space<vmem>> -> memref<64xf32, #tpu.memory_space<vmem>>
        tpu.enqueue_dma source(%dma_start3A_220 : memref<64xf32, #tpu.memory_space<vmem>>) target(%dma_start3A_218 : memref<64xf32, #tpu.memory_space<hbm>>) target_semaphore(%arg12 : memref<!tpu.dma_semaphore, #tpu.memory_space<semaphore_mem>>)
        %add3A_221 = arith.constant 32 : i32
        %add3A_222 = vector.broadcast %add3A_221 : i32 to vector<16xi32>
        %add3A_223 = arith.addi %iota3A, %add3A_222 : vector<16xi32>
        %gather3A_224 = tpu.vector_load_idx %arg8[%add3A_223, %broadcast_in_dim3A_75] : memref<64x1792xf32, #tpu.memory_space<vmem>>[vector<16xi32>, vector<16xi32>], vector<16xf32>,
        %swap3A_225 = arith.constant 96 : index
        %swap3A_226 = tpu.vector_load %arg9[%swap3A_225] {strides = array<i32>} : memref<1024xf32, #tpu.memory_space<vmem>>, vector<16xf32>,
        tpu.vector_store %arg9[%swap3A_225], %gather3A_224 {strides = array<i32>} : memref<1024xf32, #tpu.memory_space<vmem>>, vector<16xf32>,
        %add3A_227 = arith.constant 48 : i32
        %add3A_228 = vector.broadcast %add3A_227 : i32 to vector<16xi32>
        %add3A_229 = arith.addi %iota3A, %add3A_228 : vector<16xi32>
        %gather3A_230 = tpu.vector_load_idx %arg8[%add3A_229, %broadcast_in_dim3A_75] : memref<64x1792xf32, #tpu.memory_space<vmem>>[vector<16xi32>, vector<16xi32>], vector<16xf32>,
        %swap3A_231 = arith.constant 112 : index
        %swap3A_232 = tpu.vector_load %arg9[%swap3A_231] {strides = array<i32>} : memref<1024xf32, #tpu.memory_space<vmem>>, vector<16xf32>,
        tpu.vector_store %arg9[%swap3A_231], %gather3A_230 {strides = array<i32>} : memref<1024xf32, #tpu.memory_space<vmem>>, vector<16xf32>,
        %gt3A_233 = arith.constant 1 : i32
        %gt3A_234 = arith.cmpi sgt, %squeeze3A_60, %gt3A_233 : i32
        %slice3A_235 = vector.extract_strided_slice %get3A_22 {offsets = [1], sizes = [1], strides = [1]} : vector<16xi32> to vector<1xi32>
        %squeeze3A_236 = vector.extract %slice3A_235[0] : i32 from vector<1xi32>
        %jit3A_237 = arith.constant 16384 : i32
        %select_n3A_238 = arith.select %gt3A_234, %squeeze3A_236, %jit3A_237 : i32
        %mul3A_239 = arith.constant 64 : i32
        %mul3A_240 = arith.muli %select_n3A_238, %mul3A_239 : i32
        %dma_start3A_241 = arith.constant 64 : i32
        %dma_start3A_242 = tpu.memref_slice %arg9[%dma_start3A_241] : memref<1024xf32, #tpu.memory_space<vmem>> -> memref<64xf32, #tpu.memory_space<vmem>>
        %dma_start3A_243 = tpu.memref_slice %arg5[%mul3A_240] : memref<1048640xf32, #tpu.memory_space<hbm>> -> memref<64xf32, #tpu.memory_space<hbm>>
        %dma_start3A_244 = tpu.memref_slice %arg5[%mul3A_240] : memref<1048640xf32, #tpu.memory_space<hbm>> -> memref<64xf32, #tpu.memory_space<hbm>>
        %dma_start3A_245 = arith.constant 64 : i32
        %dma_start3A_246 = tpu.memref_slice %arg9[%dma_start3A_245] : memref<1024xf32, #tpu.memory_space<vmem>> -> memref<64xf32, #tpu.memory_space<vmem>>
        tpu.enqueue_dma source(%dma_start3A_246 : memref<64xf32, #tpu.memory_space<vmem>>) target(%dma_start3A_244 : memref<64xf32, #tpu.memory_space<hbm>>) target_semaphore(%arg12 : memref<!tpu.dma_semaphore, #tpu.memory_space<semaphore_mem>>)
        %add3A_247 = arith.constant 32 : i32
        %add3A_248 = vector.broadcast %add3A_247 : i32 to vector<16xi32>
        %add3A_249 = arith.addi %iota3A, %add3A_248 : vector<16xi32>
        %gather3A_250 = tpu.vector_load_idx %arg8[%add3A_249, %broadcast_in_dim3A_83] : memref<64x1792xf32, #tpu.memory_space<vmem>>[vector<16xi32>, vector<16xi32>], vector<16xf32>,
        %swap3A_251 = arith.constant 160 : index
        %swap3A_252 = tpu.vector_load %arg9[%swap3A_251] {strides = array<i32>} : memref<1024xf32, #tpu.memory_space<vmem>>, vector<16xf32>,
        tpu.vector_store %arg9[%swap3A_251], %gather3A_250 {strides = array<i32>} : memref<1024xf32, #tpu.memory_space<vmem>>, vector<16xf32>,
        %add3A_253 = arith.constant 48 : i32
        %add3A_254 = vector.broadcast %add3A_253 : i32 to vector<16xi32>
        %add3A_255 = arith.addi %iota3A, %add3A_254 : vector<16xi32>
        %gather3A_256 = tpu.vector_load_idx %arg8[%add3A_255, %broadcast_in_dim3A_83] : memref<64x1792xf32, #tpu.memory_space<vmem>>[vector<16xi32>, vector<16xi32>], vector<16xf32>,
        %swap3A_257 = arith.constant 176 : index
        %swap3A_258 = tpu.vector_load %arg9[%swap3A_257] {strides = array<i32>} : memref<1024xf32, #tpu.memory_space<vmem>>, vector<16xf32>,
        tpu.vector_store %arg9[%swap3A_257], %gather3A_256 {strides = array<i32>} : memref<1024xf32, #tpu.memory_space<vmem>>, vector<16xf32>,
        %gt3A_259 = arith.constant 2 : i32
        %gt3A_260 = arith.cmpi sgt, %squeeze3A_60, %gt3A_259 : i32
        %slice3A_261 = vector.extract_strided_slice %get3A_22 {offsets = [2], sizes = [1], strides = [1]} : vector<16xi32> to vector<1xi32>
        %squeeze3A_262 = vector.extract %slice3A_261[0] : i32 from vector<1xi32>
        %jit3A_263 = arith.constant 16384 : i32
        %select_n3A_264 = arith.select %gt3A_260, %squeeze3A_262, %jit3A_263 : i32
        %mul3A_265 = arith.constant 64 : i32
        %mul3A_266 = arith.muli %select_n3A_264, %mul3A_265 : i32
        %dma_start3A_267 = arith.constant 128 : i32
        %dma_start3A_268 = tpu.memref_slice %arg9[%dma_start3A_267] : memref<1024xf32, #tpu.memory_space<vmem>> -> memref<64xf32, #tpu.memory_space<vmem>>
        %dma_start3A_269 = tpu.memref_slice %arg5[%mul3A_266] : memref<1048640xf32, #tpu.memory_space<hbm>> -> memref<64xf32, #tpu.memory_space<hbm>>
        %dma_start3A_270 = tpu.memref_slice %arg5[%mul3A_266] : memref<1048640xf32, #tpu.memory_space<hbm>> -> memref<64xf32, #tpu.memory_space<hbm>>
        %dma_start3A_271 = arith.constant 128 : i32
        %dma_start3A_272 = tpu.memref_slice %arg9[%dma_start3A_271] : memref<1024xf32, #tpu.memory_space<vmem>> -> memref<64xf32, #tpu.memory_space<vmem>>
        tpu.enqueue_dma source(%dma_start3A_272 : memref<64xf32, #tpu.memory_space<vmem>>) target(%dma_start3A_270 : memref<64xf32, #tpu.memory_space<hbm>>) target_semaphore(%arg12 : memref<!tpu.dma_semaphore, #tpu.memory_space<semaphore_mem>>)
        %add3A_273 = arith.constant 32 : i32
        %add3A_274 = vector.broadcast %add3A_273 : i32 to vector<16xi32>
        %add3A_275 = arith.addi %iota3A, %add3A_274 : vector<16xi32>
        %gather3A_276 = tpu.vector_load_idx %arg8[%add3A_275, %broadcast_in_dim3A_91] : memref<64x1792xf32, #tpu.memory_space<vmem>>[vector<16xi32>, vector<16xi32>], vector<16xf32>,
        %swap3A_277 = arith.constant 224 : index
        %swap3A_278 = tpu.vector_load %arg9[%swap3A_277] {strides = array<i32>} : memref<1024xf32, #tpu.memory_space<vmem>>, vector<16xf32>,
        tpu.vector_store %arg9[%swap3A_277], %gather3A_276 {strides = array<i32>} : memref<1024xf32, #tpu.memory_space<vmem>>, vector<16xf32>,
        %add3A_279 = arith.constant 48 : i32
        %add3A_280 = vector.broadcast %add3A_279 : i32 to vector<16xi32>
        %add3A_281 = arith.addi %iota3A, %add3A_280 : vector<16xi32>
        %gather3A_282 = tpu.vector_load_idx %arg8[%add3A_281, %broadcast_in_dim3A_91] : memref<64x1792xf32, #tpu.memory_space<vmem>>[vector<16xi32>, vector<16xi32>], vector<16xf32>,
        %swap3A_283 = arith.constant 240 : index
        %swap3A_284 = tpu.vector_load %arg9[%swap3A_283] {strides = array<i32>} : memref<1024xf32, #tpu.memory_space<vmem>>, vector<16xf32>,
        tpu.vector_store %arg9[%swap3A_283], %gather3A_282 {strides = array<i32>} : memref<1024xf32, #tpu.memory_space<vmem>>, vector<16xf32>,
        %gt3A_285 = arith.constant 3 : i32
        %gt3A_286 = arith.cmpi sgt, %squeeze3A_60, %gt3A_285 : i32
        %slice3A_287 = vector.extract_strided_slice %get3A_22 {offsets = [3], sizes = [1], strides = [1]} : vector<16xi32> to vector<1xi32>
        %squeeze3A_288 = vector.extract %slice3A_287[0] : i32 from vector<1xi32>
        %jit3A_289 = arith.constant 16384 : i32
        %select_n3A_290 = arith.select %gt3A_286, %squeeze3A_288, %jit3A_289 : i32
        %mul3A_291 = arith.constant 64 : i32
        %mul3A_292 = arith.muli %select_n3A_290, %mul3A_291 : i32
        %dma_start3A_293 = arith.constant 192 : i32
        %dma_start3A_294 = tpu.memref_slice %arg9[%dma_start3A_293] : memref<1024xf32, #tpu.memory_space<vmem>> -> memref<64xf32, #tpu.memory_space<vmem>>
        %dma_start3A_295 = tpu.memref_slice %arg5[%mul3A_292] : memref<1048640xf32, #tpu.memory_space<hbm>> -> memref<64xf32, #tpu.memory_space<hbm>>
        %dma_start3A_296 = tpu.memref_slice %arg5[%mul3A_292] : memref<1048640xf32, #tpu.memory_space<hbm>> -> memref<64xf32, #tpu.memory_space<hbm>>
        %dma_start3A_297 = arith.constant 192 : i32
        %dma_start3A_298 = tpu.memref_slice %arg9[%dma_start3A_297] : memref<1024xf32, #tpu.memory_space<vmem>> -> memref<64xf32, #tpu.memory_space<vmem>>
        tpu.enqueue_dma source(%dma_start3A_298 : memref<64xf32, #tpu.memory_space<vmem>>) target(%dma_start3A_296 : memref<64xf32, #tpu.memory_space<hbm>>) target_semaphore(%arg12 : memref<!tpu.dma_semaphore, #tpu.memory_space<semaphore_mem>>)
        %add3A_299 = arith.constant 32 : i32
        %add3A_300 = vector.broadcast %add3A_299 : i32 to vector<16xi32>
        %add3A_301 = arith.addi %iota3A, %add3A_300 : vector<16xi32>
        %gather3A_302 = tpu.vector_load_idx %arg8[%add3A_301, %broadcast_in_dim3A_99] : memref<64x1792xf32, #tpu.memory_space<vmem>>[vector<16xi32>, vector<16xi32>], vector<16xf32>,
        %swap3A_303 = arith.constant 288 : index
        %swap3A_304 = tpu.vector_load %arg9[%swap3A_303] {strides = array<i32>} : memref<1024xf32, #tpu.memory_space<vmem>>, vector<16xf32>,
        tpu.vector_store %arg9[%swap3A_303], %gather3A_302 {strides = array<i32>} : memref<1024xf32, #tpu.memory_space<vmem>>, vector<16xf32>,
        %add3A_305 = arith.constant 48 : i32
        %add3A_306 = vector.broadcast %add3A_305 : i32 to vector<16xi32>
        %add3A_307 = arith.addi %iota3A, %add3A_306 : vector<16xi32>
        %gather3A_308 = tpu.vector_load_idx %arg8[%add3A_307, %broadcast_in_dim3A_99] : memref<64x1792xf32, #tpu.memory_space<vmem>>[vector<16xi32>, vector<16xi32>], vector<16xf32>,
        %swap3A_309 = arith.constant 304 : index
        %swap3A_310 = tpu.vector_load %arg9[%swap3A_309] {strides = array<i32>} : memref<1024xf32, #tpu.memory_space<vmem>>, vector<16xf32>,
        tpu.vector_store %arg9[%swap3A_309], %gather3A_308 {strides = array<i32>} : memref<1024xf32, #tpu.memory_space<vmem>>, vector<16xf32>,
        %gt3A_311 = arith.constant 4 : i32
        %gt3A_312 = arith.cmpi sgt, %squeeze3A_60, %gt3A_311 : i32
        %slice3A_313 = vector.extract_strided_slice %get3A_22 {offsets = [4], sizes = [1], strides = [1]} : vector<16xi32> to vector<1xi32>
        %squeeze3A_314 = vector.extract %slice3A_313[0] : i32 from vector<1xi32>
        %jit3A_315 = arith.constant 16384 : i32
        %select_n3A_316 = arith.select %gt3A_312, %squeeze3A_314, %jit3A_315 : i32
        %mul3A_317 = arith.constant 64 : i32
        %mul3A_318 = arith.muli %select_n3A_316, %mul3A_317 : i32
        %dma_start3A_319 = arith.constant 256 : i32
        %dma_start3A_320 = tpu.memref_slice %arg9[%dma_start3A_319] : memref<1024xf32, #tpu.memory_space<vmem>> -> memref<64xf32, #tpu.memory_space<vmem>>
        %dma_start3A_321 = tpu.memref_slice %arg5[%mul3A_318] : memref<1048640xf32, #tpu.memory_space<hbm>> -> memref<64xf32, #tpu.memory_space<hbm>>
        %dma_start3A_322 = tpu.memref_slice %arg5[%mul3A_318] : memref<1048640xf32, #tpu.memory_space<hbm>> -> memref<64xf32, #tpu.memory_space<hbm>>
        %dma_start3A_323 = arith.constant 256 : i32
        %dma_start3A_324 = tpu.memref_slice %arg9[%dma_start3A_323] : memref<1024xf32, #tpu.memory_space<vmem>> -> memref<64xf32, #tpu.memory_space<vmem>>
        tpu.enqueue_dma source(%dma_start3A_324 : memref<64xf32, #tpu.memory_space<vmem>>) target(%dma_start3A_322 : memref<64xf32, #tpu.memory_space<hbm>>) target_semaphore(%arg12 : memref<!tpu.dma_semaphore, #tpu.memory_space<semaphore_mem>>)
        %add3A_325 = arith.constant 32 : i32
        %add3A_326 = vector.broadcast %add3A_325 : i32 to vector<16xi32>
        %add3A_327 = arith.addi %iota3A, %add3A_326 : vector<16xi32>
        %gather3A_328 = tpu.vector_load_idx %arg8[%add3A_327, %broadcast_in_dim3A_107] : memref<64x1792xf32, #tpu.memory_space<vmem>>[vector<16xi32>, vector<16xi32>], vector<16xf32>,
        %swap3A_329 = arith.constant 352 : index
        %swap3A_330 = tpu.vector_load %arg9[%swap3A_329] {strides = array<i32>} : memref<1024xf32, #tpu.memory_space<vmem>>, vector<16xf32>,
        tpu.vector_store %arg9[%swap3A_329], %gather3A_328 {strides = array<i32>} : memref<1024xf32, #tpu.memory_space<vmem>>, vector<16xf32>,
        %add3A_331 = arith.constant 48 : i32
        %add3A_332 = vector.broadcast %add3A_331 : i32 to vector<16xi32>
        %add3A_333 = arith.addi %iota3A, %add3A_332 : vector<16xi32>
        %gather3A_334 = tpu.vector_load_idx %arg8[%add3A_333, %broadcast_in_dim3A_107] : memref<64x1792xf32, #tpu.memory_space<vmem>>[vector<16xi32>, vector<16xi32>], vector<16xf32>,
        %swap3A_335 = arith.constant 368 : index
        %swap3A_336 = tpu.vector_load %arg9[%swap3A_335] {strides = array<i32>} : memref<1024xf32, #tpu.memory_space<vmem>>, vector<16xf32>,
        tpu.vector_store %arg9[%swap3A_335], %gather3A_334 {strides = array<i32>} : memref<1024xf32, #tpu.memory_space<vmem>>, vector<16xf32>,
        %gt3A_337 = arith.constant 5 : i32
        %gt3A_338 = arith.cmpi sgt, %squeeze3A_60, %gt3A_337 : i32
        %slice3A_339 = vector.extract_strided_slice %get3A_22 {offsets = [5], sizes = [1], strides = [1]} : vector<16xi32> to vector<1xi32>
        %squeeze3A_340 = vector.extract %slice3A_339[0] : i32 from vector<1xi32>
        %jit3A_341 = arith.constant 16384 : i32
        %select_n3A_342 = arith.select %gt3A_338, %squeeze3A_340, %jit3A_341 : i32
        %mul3A_343 = arith.constant 64 : i32
        %mul3A_344 = arith.muli %select_n3A_342, %mul3A_343 : i32
        %dma_start3A_345 = arith.constant 320 : i32
        %dma_start3A_346 = tpu.memref_slice %arg9[%dma_start3A_345] : memref<1024xf32, #tpu.memory_space<vmem>> -> memref<64xf32, #tpu.memory_space<vmem>>
        %dma_start3A_347 = tpu.memref_slice %arg5[%mul3A_344] : memref<1048640xf32, #tpu.memory_space<hbm>> -> memref<64xf32, #tpu.memory_space<hbm>>
        %dma_start3A_348 = tpu.memref_slice %arg5[%mul3A_344] : memref<1048640xf32, #tpu.memory_space<hbm>> -> memref<64xf32, #tpu.memory_space<hbm>>
        %dma_start3A_349 = arith.constant 320 : i32
        %dma_start3A_350 = tpu.memref_slice %arg9[%dma_start3A_349] : memref<1024xf32, #tpu.memory_space<vmem>> -> memref<64xf32, #tpu.memory_space<vmem>>
        tpu.enqueue_dma source(%dma_start3A_350 : memref<64xf32, #tpu.memory_space<vmem>>) target(%dma_start3A_348 : memref<64xf32, #tpu.memory_space<hbm>>) target_semaphore(%arg12 : memref<!tpu.dma_semaphore, #tpu.memory_space<semaphore_mem>>)
        %add3A_351 = arith.constant 32 : i32
        %add3A_352 = vector.broadcast %add3A_351 : i32 to vector<16xi32>
        %add3A_353 = arith.addi %iota3A, %add3A_352 : vector<16xi32>
        %gather3A_354 = tpu.vector_load_idx %arg8[%add3A_353, %broadcast_in_dim3A_115] : memref<64x1792xf32, #tpu.memory_space<vmem>>[vector<16xi32>, vector<16xi32>], vector<16xf32>,
        %swap3A_355 = arith.constant 416 : index
        %swap3A_356 = tpu.vector_load %arg9[%swap3A_355] {strides = array<i32>} : memref<1024xf32, #tpu.memory_space<vmem>>, vector<16xf32>,
        tpu.vector_store %arg9[%swap3A_355], %gather3A_354 {strides = array<i32>} : memref<1024xf32, #tpu.memory_space<vmem>>, vector<16xf32>,
        %add3A_357 = arith.constant 48 : i32
        %add3A_358 = vector.broadcast %add3A_357 : i32 to vector<16xi32>
        %add3A_359 = arith.addi %iota3A, %add3A_358 : vector<16xi32>
        %gather3A_360 = tpu.vector_load_idx %arg8[%add3A_359, %broadcast_in_dim3A_115] : memref<64x1792xf32, #tpu.memory_space<vmem>>[vector<16xi32>, vector<16xi32>], vector<16xf32>,
        %swap3A_361 = arith.constant 432 : index
        %swap3A_362 = tpu.vector_load %arg9[%swap3A_361] {strides = array<i32>} : memref<1024xf32, #tpu.memory_space<vmem>>, vector<16xf32>,
        tpu.vector_store %arg9[%swap3A_361], %gather3A_360 {strides = array<i32>} : memref<1024xf32, #tpu.memory_space<vmem>>, vector<16xf32>,
        %gt3A_363 = arith.constant 6 : i32
        %gt3A_364 = arith.cmpi sgt, %squeeze3A_60, %gt3A_363 : i32
        %slice3A_365 = vector.extract_strided_slice %get3A_22 {offsets = [6], sizes = [1], strides = [1]} : vector<16xi32> to vector<1xi32>
        %squeeze3A_366 = vector.extract %slice3A_365[0] : i32 from vector<1xi32>
        %jit3A_367 = arith.constant 16384 : i32
        %select_n3A_368 = arith.select %gt3A_364, %squeeze3A_366, %jit3A_367 : i32
        %mul3A_369 = arith.constant 64 : i32
        %mul3A_370 = arith.muli %select_n3A_368, %mul3A_369 : i32
        %dma_start3A_371 = arith.constant 384 : i32
        %dma_start3A_372 = tpu.memref_slice %arg9[%dma_start3A_371] : memref<1024xf32, #tpu.memory_space<vmem>> -> memref<64xf32, #tpu.memory_space<vmem>>
        %dma_start3A_373 = tpu.memref_slice %arg5[%mul3A_370] : memref<1048640xf32, #tpu.memory_space<hbm>> -> memref<64xf32, #tpu.memory_space<hbm>>
        %dma_start3A_374 = tpu.memref_slice %arg5[%mul3A_370] : memref<1048640xf32, #tpu.memory_space<hbm>> -> memref<64xf32, #tpu.memory_space<hbm>>
        %dma_start3A_375 = arith.constant 384 : i32
        %dma_start3A_376 = tpu.memref_slice %arg9[%dma_start3A_375] : memref<1024xf32, #tpu.memory_space<vmem>> -> memref<64xf32, #tpu.memory_space<vmem>>
        tpu.enqueue_dma source(%dma_start3A_376 : memref<64xf32, #tpu.memory_space<vmem>>) target(%dma_start3A_374 : memref<64xf32, #tpu.memory_space<hbm>>) target_semaphore(%arg12 : memref<!tpu.dma_semaphore, #tpu.memory_space<semaphore_mem>>)
        %add3A_377 = arith.constant 32 : i32
        %add3A_378 = vector.broadcast %add3A_377 : i32 to vector<16xi32>
        %add3A_379 = arith.addi %iota3A, %add3A_378 : vector<16xi32>
        %gather3A_380 = tpu.vector_load_idx %arg8[%add3A_379, %broadcast_in_dim3A_123] : memref<64x1792xf32, #tpu.memory_space<vmem>>[vector<16xi32>, vector<16xi32>], vector<16xf32>,
        %swap3A_381 = arith.constant 480 : index
        %swap3A_382 = tpu.vector_load %arg9[%swap3A_381] {strides = array<i32>} : memref<1024xf32, #tpu.memory_space<vmem>>, vector<16xf32>,
        tpu.vector_store %arg9[%swap3A_381], %gather3A_380 {strides = array<i32>} : memref<1024xf32, #tpu.memory_space<vmem>>, vector<16xf32>,
        %add3A_383 = arith.constant 48 : i32
        %add3A_384 = vector.broadcast %add3A_383 : i32 to vector<16xi32>
        %add3A_385 = arith.addi %iota3A, %add3A_384 : vector<16xi32>
        %gather3A_386 = tpu.vector_load_idx %arg8[%add3A_385, %broadcast_in_dim3A_123] : memref<64x1792xf32, #tpu.memory_space<vmem>>[vector<16xi32>, vector<16xi32>], vector<16xf32>,
        %swap3A_387 = arith.constant 496 : index
        %swap3A_388 = tpu.vector_load %arg9[%swap3A_387] {strides = array<i32>} : memref<1024xf32, #tpu.memory_space<vmem>>, vector<16xf32>,
        tpu.vector_store %arg9[%swap3A_387], %gather3A_386 {strides = array<i32>} : memref<1024xf32, #tpu.memory_space<vmem>>, vector<16xf32>,
        %gt3A_389 = arith.constant 7 : i32
        %gt3A_390 = arith.cmpi sgt, %squeeze3A_60, %gt3A_389 : i32
        %slice3A_391 = vector.extract_strided_slice %get3A_22 {offsets = [7], sizes = [1], strides = [1]} : vector<16xi32> to vector<1xi32>
        %squeeze3A_392 = vector.extract %slice3A_391[0] : i32 from vector<1xi32>
        %jit3A_393 = arith.constant 16384 : i32
        %select_n3A_394 = arith.select %gt3A_390, %squeeze3A_392, %jit3A_393 : i32
        %mul3A_395 = arith.constant 64 : i32
        %mul3A_396 = arith.muli %select_n3A_394, %mul3A_395 : i32
        %dma_start3A_397 = arith.constant 448 : i32
        %dma_start3A_398 = tpu.memref_slice %arg9[%dma_start3A_397] : memref<1024xf32, #tpu.memory_space<vmem>> -> memref<64xf32, #tpu.memory_space<vmem>>
        %dma_start3A_399 = tpu.memref_slice %arg5[%mul3A_396] : memref<1048640xf32, #tpu.memory_space<hbm>> -> memref<64xf32, #tpu.memory_space<hbm>>
        %dma_start3A_400 = tpu.memref_slice %arg5[%mul3A_396] : memref<1048640xf32, #tpu.memory_space<hbm>> -> memref<64xf32, #tpu.memory_space<hbm>>
        %dma_start3A_401 = arith.constant 448 : i32
        %dma_start3A_402 = tpu.memref_slice %arg9[%dma_start3A_401] : memref<1024xf32, #tpu.memory_space<vmem>> -> memref<64xf32, #tpu.memory_space<vmem>>
        tpu.enqueue_dma source(%dma_start3A_402 : memref<64xf32, #tpu.memory_space<vmem>>) target(%dma_start3A_400 : memref<64xf32, #tpu.memory_space<hbm>>) target_semaphore(%arg12 : memref<!tpu.dma_semaphore, #tpu.memory_space<semaphore_mem>>)
        %add3A_403 = arith.constant 32 : i32
        %add3A_404 = vector.broadcast %add3A_403 : i32 to vector<16xi32>
        %add3A_405 = arith.addi %iota3A, %add3A_404 : vector<16xi32>
        %gather3A_406 = tpu.vector_load_idx %arg8[%add3A_405, %broadcast_in_dim3A_131] : memref<64x1792xf32, #tpu.memory_space<vmem>>[vector<16xi32>, vector<16xi32>], vector<16xf32>,
        %swap3A_407 = arith.constant 544 : index
        %swap3A_408 = tpu.vector_load %arg9[%swap3A_407] {strides = array<i32>} : memref<1024xf32, #tpu.memory_space<vmem>>, vector<16xf32>,
        tpu.vector_store %arg9[%swap3A_407], %gather3A_406 {strides = array<i32>} : memref<1024xf32, #tpu.memory_space<vmem>>, vector<16xf32>,
        %add3A_409 = arith.constant 48 : i32
        %add3A_410 = vector.broadcast %add3A_409 : i32 to vector<16xi32>
        %add3A_411 = arith.addi %iota3A, %add3A_410 : vector<16xi32>
        %gather3A_412 = tpu.vector_load_idx %arg8[%add3A_411, %broadcast_in_dim3A_131] : memref<64x1792xf32, #tpu.memory_space<vmem>>[vector<16xi32>, vector<16xi32>], vector<16xf32>,
        %swap3A_413 = arith.constant 560 : index
        %swap3A_414 = tpu.vector_load %arg9[%swap3A_413] {strides = array<i32>} : memref<1024xf32, #tpu.memory_space<vmem>>, vector<16xf32>,
        tpu.vector_store %arg9[%swap3A_413], %gather3A_412 {strides = array<i32>} : memref<1024xf32, #tpu.memory_space<vmem>>, vector<16xf32>,
        %gt3A_415 = arith.constant 8 : i32
        %gt3A_416 = arith.cmpi sgt, %squeeze3A_60, %gt3A_415 : i32
        %slice3A_417 = vector.extract_strided_slice %get3A_22 {offsets = [8], sizes = [1], strides = [1]} : vector<16xi32> to vector<1xi32>
        %squeeze3A_418 = vector.extract %slice3A_417[0] : i32 from vector<1xi32>
        %jit3A_419 = arith.constant 16384 : i32
        %select_n3A_420 = arith.select %gt3A_416, %squeeze3A_418, %jit3A_419 : i32
        %mul3A_421 = arith.constant 64 : i32
        %mul3A_422 = arith.muli %select_n3A_420, %mul3A_421 : i32
        %dma_start3A_423 = arith.constant 512 : i32
        %dma_start3A_424 = tpu.memref_slice %arg9[%dma_start3A_423] : memref<1024xf32, #tpu.memory_space<vmem>> -> memref<64xf32, #tpu.memory_space<vmem>>
        %dma_start3A_425 = tpu.memref_slice %arg5[%mul3A_422] : memref<1048640xf32, #tpu.memory_space<hbm>> -> memref<64xf32, #tpu.memory_space<hbm>>
        %dma_start3A_426 = tpu.memref_slice %arg5[%mul3A_422] : memref<1048640xf32, #tpu.memory_space<hbm>> -> memref<64xf32, #tpu.memory_space<hbm>>
        %dma_start3A_427 = arith.constant 512 : i32
        %dma_start3A_428 = tpu.memref_slice %arg9[%dma_start3A_427] : memref<1024xf32, #tpu.memory_space<vmem>> -> memref<64xf32, #tpu.memory_space<vmem>>
        tpu.enqueue_dma source(%dma_start3A_428 : memref<64xf32, #tpu.memory_space<vmem>>) target(%dma_start3A_426 : memref<64xf32, #tpu.memory_space<hbm>>) target_semaphore(%arg12 : memref<!tpu.dma_semaphore, #tpu.memory_space<semaphore_mem>>)
        %add3A_429 = arith.constant 32 : i32
        %add3A_430 = vector.broadcast %add3A_429 : i32 to vector<16xi32>
        %add3A_431 = arith.addi %iota3A, %add3A_430 : vector<16xi32>
        %gather3A_432 = tpu.vector_load_idx %arg8[%add3A_431, %broadcast_in_dim3A_139] : memref<64x1792xf32, #tpu.memory_space<vmem>>[vector<16xi32>, vector<16xi32>], vector<16xf32>,
        %swap3A_433 = arith.constant 608 : index
        %swap3A_434 = tpu.vector_load %arg9[%swap3A_433] {strides = array<i32>} : memref<1024xf32, #tpu.memory_space<vmem>>, vector<16xf32>,
        tpu.vector_store %arg9[%swap3A_433], %gather3A_432 {strides = array<i32>} : memref<1024xf32, #tpu.memory_space<vmem>>, vector<16xf32>,
        %add3A_435 = arith.constant 48 : i32
        %add3A_436 = vector.broadcast %add3A_435 : i32 to vector<16xi32>
        %add3A_437 = arith.addi %iota3A, %add3A_436 : vector<16xi32>
        %gather3A_438 = tpu.vector_load_idx %arg8[%add3A_437, %broadcast_in_dim3A_139] : memref<64x1792xf32, #tpu.memory_space<vmem>>[vector<16xi32>, vector<16xi32>], vector<16xf32>,
        %swap3A_439 = arith.constant 624 : index
        %swap3A_440 = tpu.vector_load %arg9[%swap3A_439] {strides = array<i32>} : memref<1024xf32, #tpu.memory_space<vmem>>, vector<16xf32>,
        tpu.vector_store %arg9[%swap3A_439], %gather3A_438 {strides = array<i32>} : memref<1024xf32, #tpu.memory_space<vmem>>, vector<16xf32>,
        %gt3A_441 = arith.constant 9 : i32
        %gt3A_442 = arith.cmpi sgt, %squeeze3A_60, %gt3A_441 : i32
        %slice3A_443 = vector.extract_strided_slice %get3A_22 {offsets = [9], sizes = [1], strides = [1]} : vector<16xi32> to vector<1xi32>
        %squeeze3A_444 = vector.extract %slice3A_443[0] : i32 from vector<1xi32>
        %jit3A_445 = arith.constant 16384 : i32
        %select_n3A_446 = arith.select %gt3A_442, %squeeze3A_444, %jit3A_445 : i32
        %mul3A_447 = arith.constant 64 : i32
        %mul3A_448 = arith.muli %select_n3A_446, %mul3A_447 : i32
        %dma_start3A_449 = arith.constant 576 : i32
        %dma_start3A_450 = tpu.memref_slice %arg9[%dma_start3A_449] : memref<1024xf32, #tpu.memory_space<vmem>> -> memref<64xf32, #tpu.memory_space<vmem>>
        %dma_start3A_451 = tpu.memref_slice %arg5[%mul3A_448] : memref<1048640xf32, #tpu.memory_space<hbm>> -> memref<64xf32, #tpu.memory_space<hbm>>
        %dma_start3A_452 = tpu.memref_slice %arg5[%mul3A_448] : memref<1048640xf32, #tpu.memory_space<hbm>> -> memref<64xf32, #tpu.memory_space<hbm>>
        %dma_start3A_453 = arith.constant 576 : i32
        %dma_start3A_454 = tpu.memref_slice %arg9[%dma_start3A_453] : memref<1024xf32, #tpu.memory_space<vmem>> -> memref<64xf32, #tpu.memory_space<vmem>>
        tpu.enqueue_dma source(%dma_start3A_454 : memref<64xf32, #tpu.memory_space<vmem>>) target(%dma_start3A_452 : memref<64xf32, #tpu.memory_space<hbm>>) target_semaphore(%arg12 : memref<!tpu.dma_semaphore, #tpu.memory_space<semaphore_mem>>)
        %add3A_455 = arith.constant 32 : i32
        %add3A_456 = vector.broadcast %add3A_455 : i32 to vector<16xi32>
        %add3A_457 = arith.addi %iota3A, %add3A_456 : vector<16xi32>
        %gather3A_458 = tpu.vector_load_idx %arg8[%add3A_457, %broadcast_in_dim3A_147] : memref<64x1792xf32, #tpu.memory_space<vmem>>[vector<16xi32>, vector<16xi32>], vector<16xf32>,
        %swap3A_459 = arith.constant 672 : index
        %swap3A_460 = tpu.vector_load %arg9[%swap3A_459] {strides = array<i32>} : memref<1024xf32, #tpu.memory_space<vmem>>, vector<16xf32>,
        tpu.vector_store %arg9[%swap3A_459], %gather3A_458 {strides = array<i32>} : memref<1024xf32, #tpu.memory_space<vmem>>, vector<16xf32>,
        %add3A_461 = arith.constant 48 : i32
        %add3A_462 = vector.broadcast %add3A_461 : i32 to vector<16xi32>
        %add3A_463 = arith.addi %iota3A, %add3A_462 : vector<16xi32>
        %gather3A_464 = tpu.vector_load_idx %arg8[%add3A_463, %broadcast_in_dim3A_147] : memref<64x1792xf32, #tpu.memory_space<vmem>>[vector<16xi32>, vector<16xi32>], vector<16xf32>,
        %swap3A_465 = arith.constant 688 : index
        %swap3A_466 = tpu.vector_load %arg9[%swap3A_465] {strides = array<i32>} : memref<1024xf32, #tpu.memory_space<vmem>>, vector<16xf32>,
        tpu.vector_store %arg9[%swap3A_465], %gather3A_464 {strides = array<i32>} : memref<1024xf32, #tpu.memory_space<vmem>>, vector<16xf32>,
        %gt3A_467 = arith.constant 10 : i32
        %gt3A_468 = arith.cmpi sgt, %squeeze3A_60, %gt3A_467 : i32
        %slice3A_469 = vector.extract_strided_slice %get3A_22 {offsets = [10], sizes = [1], strides = [1]} : vector<16xi32> to vector<1xi32>
        %squeeze3A_470 = vector.extract %slice3A_469[0] : i32 from vector<1xi32>
        %jit3A_471 = arith.constant 16384 : i32
        %select_n3A_472 = arith.select %gt3A_468, %squeeze3A_470, %jit3A_471 : i32
        %mul3A_473 = arith.constant 64 : i32
        %mul3A_474 = arith.muli %select_n3A_472, %mul3A_473 : i32
        %dma_start3A_475 = arith.constant 640 : i32
        %dma_start3A_476 = tpu.memref_slice %arg9[%dma_start3A_475] : memref<1024xf32, #tpu.memory_space<vmem>> -> memref<64xf32, #tpu.memory_space<vmem>>
        %dma_start3A_477 = tpu.memref_slice %arg5[%mul3A_474] : memref<1048640xf32, #tpu.memory_space<hbm>> -> memref<64xf32, #tpu.memory_space<hbm>>
        %dma_start3A_478 = tpu.memref_slice %arg5[%mul3A_474] : memref<1048640xf32, #tpu.memory_space<hbm>> -> memref<64xf32, #tpu.memory_space<hbm>>
        %dma_start3A_479 = arith.constant 640 : i32
        %dma_start3A_480 = tpu.memref_slice %arg9[%dma_start3A_479] : memref<1024xf32, #tpu.memory_space<vmem>> -> memref<64xf32, #tpu.memory_space<vmem>>
        tpu.enqueue_dma source(%dma_start3A_480 : memref<64xf32, #tpu.memory_space<vmem>>) target(%dma_start3A_478 : memref<64xf32, #tpu.memory_space<hbm>>) target_semaphore(%arg12 : memref<!tpu.dma_semaphore, #tpu.memory_space<semaphore_mem>>)
        %add3A_481 = arith.constant 32 : i32
        %add3A_482 = vector.broadcast %add3A_481 : i32 to vector<16xi32>
        %add3A_483 = arith.addi %iota3A, %add3A_482 : vector<16xi32>
        %gather3A_484 = tpu.vector_load_idx %arg8[%add3A_483, %broadcast_in_dim3A_155] : memref<64x1792xf32, #tpu.memory_space<vmem>>[vector<16xi32>, vector<16xi32>], vector<16xf32>,
        %swap3A_485 = arith.constant 736 : index
        %swap3A_486 = tpu.vector_load %arg9[%swap3A_485] {strides = array<i32>} : memref<1024xf32, #tpu.memory_space<vmem>>, vector<16xf32>,
        tpu.vector_store %arg9[%swap3A_485], %gather3A_484 {strides = array<i32>} : memref<1024xf32, #tpu.memory_space<vmem>>, vector<16xf32>,
        %add3A_487 = arith.constant 48 : i32
        %add3A_488 = vector.broadcast %add3A_487 : i32 to vector<16xi32>
        %add3A_489 = arith.addi %iota3A, %add3A_488 : vector<16xi32>
        %gather3A_490 = tpu.vector_load_idx %arg8[%add3A_489, %broadcast_in_dim3A_155] : memref<64x1792xf32, #tpu.memory_space<vmem>>[vector<16xi32>, vector<16xi32>], vector<16xf32>,
        %swap3A_491 = arith.constant 752 : index
        %swap3A_492 = tpu.vector_load %arg9[%swap3A_491] {strides = array<i32>} : memref<1024xf32, #tpu.memory_space<vmem>>, vector<16xf32>,
        tpu.vector_store %arg9[%swap3A_491], %gather3A_490 {strides = array<i32>} : memref<1024xf32, #tpu.memory_space<vmem>>, vector<16xf32>,
        %gt3A_493 = arith.constant 11 : i32
        %gt3A_494 = arith.cmpi sgt, %squeeze3A_60, %gt3A_493 : i32
        %slice3A_495 = vector.extract_strided_slice %get3A_22 {offsets = [11], sizes = [1], strides = [1]} : vector<16xi32> to vector<1xi32>
        %squeeze3A_496 = vector.extract %slice3A_495[0] : i32 from vector<1xi32>
        %jit3A_497 = arith.constant 16384 : i32
        %select_n3A_498 = arith.select %gt3A_494, %squeeze3A_496, %jit3A_497 : i32
        %mul3A_499 = arith.constant 64 : i32
        %mul3A_500 = arith.muli %select_n3A_498, %mul3A_499 : i32
        %dma_start3A_501 = arith.constant 704 : i32
        %dma_start3A_502 = tpu.memref_slice %arg9[%dma_start3A_501] : memref<1024xf32, #tpu.memory_space<vmem>> -> memref<64xf32, #tpu.memory_space<vmem>>
        %dma_start3A_503 = tpu.memref_slice %arg5[%mul3A_500] : memref<1048640xf32, #tpu.memory_space<hbm>> -> memref<64xf32, #tpu.memory_space<hbm>>
        %dma_start3A_504 = tpu.memref_slice %arg5[%mul3A_500] : memref<1048640xf32, #tpu.memory_space<hbm>> -> memref<64xf32, #tpu.memory_space<hbm>>
        %dma_start3A_505 = arith.constant 704 : i32
        %dma_start3A_506 = tpu.memref_slice %arg9[%dma_start3A_505] : memref<1024xf32, #tpu.memory_space<vmem>> -> memref<64xf32, #tpu.memory_space<vmem>>
        tpu.enqueue_dma source(%dma_start3A_506 : memref<64xf32, #tpu.memory_space<vmem>>) target(%dma_start3A_504 : memref<64xf32, #tpu.memory_space<hbm>>) target_semaphore(%arg12 : memref<!tpu.dma_semaphore, #tpu.memory_space<semaphore_mem>>)
        %add3A_507 = arith.constant 32 : i32
        %add3A_508 = vector.broadcast %add3A_507 : i32 to vector<16xi32>
        %add3A_509 = arith.addi %iota3A, %add3A_508 : vector<16xi32>
        %gather3A_510 = tpu.vector_load_idx %arg8[%add3A_509, %broadcast_in_dim3A_163] : memref<64x1792xf32, #tpu.memory_space<vmem>>[vector<16xi32>, vector<16xi32>], vector<16xf32>,
        %swap3A_511 = arith.constant 800 : index
        %swap3A_512 = tpu.vector_load %arg9[%swap3A_511] {strides = array<i32>} : memref<1024xf32, #tpu.memory_space<vmem>>, vector<16xf32>,
        tpu.vector_store %arg9[%swap3A_511], %gather3A_510 {strides = array<i32>} : memref<1024xf32, #tpu.memory_space<vmem>>, vector<16xf32>,
        %add3A_513 = arith.constant 48 : i32
        %add3A_514 = vector.broadcast %add3A_513 : i32 to vector<16xi32>
        %add3A_515 = arith.addi %iota3A, %add3A_514 : vector<16xi32>
        %gather3A_516 = tpu.vector_load_idx %arg8[%add3A_515, %broadcast_in_dim3A_163] : memref<64x1792xf32, #tpu.memory_space<vmem>>[vector<16xi32>, vector<16xi32>], vector<16xf32>,
        %swap3A_517 = arith.constant 816 : index
        %swap3A_518 = tpu.vector_load %arg9[%swap3A_517] {strides = array<i32>} : memref<1024xf32, #tpu.memory_space<vmem>>, vector<16xf32>,
        tpu.vector_store %arg9[%swap3A_517], %gather3A_516 {strides = array<i32>} : memref<1024xf32, #tpu.memory_space<vmem>>, vector<16xf32>,
        %gt3A_519 = arith.constant 12 : i32
        %gt3A_520 = arith.cmpi sgt, %squeeze3A_60, %gt3A_519 : i32
        %slice3A_521 = vector.extract_strided_slice %get3A_22 {offsets = [12], sizes = [1], strides = [1]} : vector<16xi32> to vector<1xi32>
        %squeeze3A_522 = vector.extract %slice3A_521[0] : i32 from vector<1xi32>
        %jit3A_523 = arith.constant 16384 : i32
        %select_n3A_524 = arith.select %gt3A_520, %squeeze3A_522, %jit3A_523 : i32
        %mul3A_525 = arith.constant 64 : i32
        %mul3A_526 = arith.muli %select_n3A_524, %mul3A_525 : i32
        %dma_start3A_527 = arith.constant 768 : i32
        %dma_start3A_528 = tpu.memref_slice %arg9[%dma_start3A_527] : memref<1024xf32, #tpu.memory_space<vmem>> -> memref<64xf32, #tpu.memory_space<vmem>>
        %dma_start3A_529 = tpu.memref_slice %arg5[%mul3A_526] : memref<1048640xf32, #tpu.memory_space<hbm>> -> memref<64xf32, #tpu.memory_space<hbm>>
        %dma_start3A_530 = tpu.memref_slice %arg5[%mul3A_526] : memref<1048640xf32, #tpu.memory_space<hbm>> -> memref<64xf32, #tpu.memory_space<hbm>>
        %dma_start3A_531 = arith.constant 768 : i32
        %dma_start3A_532 = tpu.memref_slice %arg9[%dma_start3A_531] : memref<1024xf32, #tpu.memory_space<vmem>> -> memref<64xf32, #tpu.memory_space<vmem>>
        tpu.enqueue_dma source(%dma_start3A_532 : memref<64xf32, #tpu.memory_space<vmem>>) target(%dma_start3A_530 : memref<64xf32, #tpu.memory_space<hbm>>) target_semaphore(%arg12 : memref<!tpu.dma_semaphore, #tpu.memory_space<semaphore_mem>>)
        %add3A_533 = arith.constant 32 : i32
        %add3A_534 = vector.broadcast %add3A_533 : i32 to vector<16xi32>
        %add3A_535 = arith.addi %iota3A, %add3A_534 : vector<16xi32>
        %gather3A_536 = tpu.vector_load_idx %arg8[%add3A_535, %broadcast_in_dim3A_171] : memref<64x1792xf32, #tpu.memory_space<vmem>>[vector<16xi32>, vector<16xi32>], vector<16xf32>,
        %swap3A_537 = arith.constant 864 : index
        %swap3A_538 = tpu.vector_load %arg9[%swap3A_537] {strides = array<i32>} : memref<1024xf32, #tpu.memory_space<vmem>>, vector<16xf32>,
        tpu.vector_store %arg9[%swap3A_537], %gather3A_536 {strides = array<i32>} : memref<1024xf32, #tpu.memory_space<vmem>>, vector<16xf32>,
        %add3A_539 = arith.constant 48 : i32
        %add3A_540 = vector.broadcast %add3A_539 : i32 to vector<16xi32>
        %add3A_541 = arith.addi %iota3A, %add3A_540 : vector<16xi32>
        %gather3A_542 = tpu.vector_load_idx %arg8[%add3A_541, %broadcast_in_dim3A_171] : memref<64x1792xf32, #tpu.memory_space<vmem>>[vector<16xi32>, vector<16xi32>], vector<16xf32>,
        %swap3A_543 = arith.constant 880 : index
        %swap3A_544 = tpu.vector_load %arg9[%swap3A_543] {strides = array<i32>} : memref<1024xf32, #tpu.memory_space<vmem>>, vector<16xf32>,
        tpu.vector_store %arg9[%swap3A_543], %gather3A_542 {strides = array<i32>} : memref<1024xf32, #tpu.memory_space<vmem>>, vector<16xf32>,
        %gt3A_545 = arith.constant 13 : i32
        %gt3A_546 = arith.cmpi sgt, %squeeze3A_60, %gt3A_545 : i32
        %slice3A_547 = vector.extract_strided_slice %get3A_22 {offsets = [13], sizes = [1], strides = [1]} : vector<16xi32> to vector<1xi32>
        %squeeze3A_548 = vector.extract %slice3A_547[0] : i32 from vector<1xi32>
        %jit3A_549 = arith.constant 16384 : i32
        %select_n3A_550 = arith.select %gt3A_546, %squeeze3A_548, %jit3A_549 : i32
        %mul3A_551 = arith.constant 64 : i32
        %mul3A_552 = arith.muli %select_n3A_550, %mul3A_551 : i32
        %dma_start3A_553 = arith.constant 832 : i32
        %dma_start3A_554 = tpu.memref_slice %arg9[%dma_start3A_553] : memref<1024xf32, #tpu.memory_space<vmem>> -> memref<64xf32, #tpu.memory_space<vmem>>
        %dma_start3A_555 = tpu.memref_slice %arg5[%mul3A_552] : memref<1048640xf32, #tpu.memory_space<hbm>> -> memref<64xf32, #tpu.memory_space<hbm>>
        %dma_start3A_556 = tpu.memref_slice %arg5[%mul3A_552] : memref<1048640xf32, #tpu.memory_space<hbm>> -> memref<64xf32, #tpu.memory_space<hbm>>
        %dma_start3A_557 = arith.constant 832 : i32
        %dma_start3A_558 = tpu.memref_slice %arg9[%dma_start3A_557] : memref<1024xf32, #tpu.memory_space<vmem>> -> memref<64xf32, #tpu.memory_space<vmem>>
        tpu.enqueue_dma source(%dma_start3A_558 : memref<64xf32, #tpu.memory_space<vmem>>) target(%dma_start3A_556 : memref<64xf32, #tpu.memory_space<hbm>>) target_semaphore(%arg12 : memref<!tpu.dma_semaphore, #tpu.memory_space<semaphore_mem>>)
        %add3A_559 = arith.constant 32 : i32
        %add3A_560 = vector.broadcast %add3A_559 : i32 to vector<16xi32>
        %add3A_561 = arith.addi %iota3A, %add3A_560 : vector<16xi32>
        %gather3A_562 = tpu.vector_load_idx %arg8[%add3A_561, %broadcast_in_dim3A_179] : memref<64x1792xf32, #tpu.memory_space<vmem>>[vector<16xi32>, vector<16xi32>], vector<16xf32>,
        %swap3A_563 = arith.constant 928 : index
        %swap3A_564 = tpu.vector_load %arg9[%swap3A_563] {strides = array<i32>} : memref<1024xf32, #tpu.memory_space<vmem>>, vector<16xf32>,
        tpu.vector_store %arg9[%swap3A_563], %gather3A_562 {strides = array<i32>} : memref<1024xf32, #tpu.memory_space<vmem>>, vector<16xf32>,
        %add3A_565 = arith.constant 48 : i32
        %add3A_566 = vector.broadcast %add3A_565 : i32 to vector<16xi32>
        %add3A_567 = arith.addi %iota3A, %add3A_566 : vector<16xi32>
        %gather3A_568 = tpu.vector_load_idx %arg8[%add3A_567, %broadcast_in_dim3A_179] : memref<64x1792xf32, #tpu.memory_space<vmem>>[vector<16xi32>, vector<16xi32>], vector<16xf32>,
        %swap3A_569 = arith.constant 944 : index
        %swap3A_570 = tpu.vector_load %arg9[%swap3A_569] {strides = array<i32>} : memref<1024xf32, #tpu.memory_space<vmem>>, vector<16xf32>,
        tpu.vector_store %arg9[%swap3A_569], %gather3A_568 {strides = array<i32>} : memref<1024xf32, #tpu.memory_space<vmem>>, vector<16xf32>,
        %gt3A_571 = arith.constant 14 : i32
        %gt3A_572 = arith.cmpi sgt, %squeeze3A_60, %gt3A_571 : i32
        %slice3A_573 = vector.extract_strided_slice %get3A_22 {offsets = [14], sizes = [1], strides = [1]} : vector<16xi32> to vector<1xi32>
        %squeeze3A_574 = vector.extract %slice3A_573[0] : i32 from vector<1xi32>
        %jit3A_575 = arith.constant 16384 : i32
        %select_n3A_576 = arith.select %gt3A_572, %squeeze3A_574, %jit3A_575 : i32
        %mul3A_577 = arith.constant 64 : i32
        %mul3A_578 = arith.muli %select_n3A_576, %mul3A_577 : i32
        %dma_start3A_579 = arith.constant 896 : i32
        %dma_start3A_580 = tpu.memref_slice %arg9[%dma_start3A_579] : memref<1024xf32, #tpu.memory_space<vmem>> -> memref<64xf32, #tpu.memory_space<vmem>>
        %dma_start3A_581 = tpu.memref_slice %arg5[%mul3A_578] : memref<1048640xf32, #tpu.memory_space<hbm>> -> memref<64xf32, #tpu.memory_space<hbm>>
        %dma_start3A_582 = tpu.memref_slice %arg5[%mul3A_578] : memref<1048640xf32, #tpu.memory_space<hbm>> -> memref<64xf32, #tpu.memory_space<hbm>>
        %dma_start3A_583 = arith.constant 896 : i32
        %dma_start3A_584 = tpu.memref_slice %arg9[%dma_start3A_583] : memref<1024xf32, #tpu.memory_space<vmem>> -> memref<64xf32, #tpu.memory_space<vmem>>
        tpu.enqueue_dma source(%dma_start3A_584 : memref<64xf32, #tpu.memory_space<vmem>>) target(%dma_start3A_582 : memref<64xf32, #tpu.memory_space<hbm>>) target_semaphore(%arg12 : memref<!tpu.dma_semaphore, #tpu.memory_space<semaphore_mem>>)
        %add3A_585 = arith.constant 32 : i32
        %add3A_586 = vector.broadcast %add3A_585 : i32 to vector<16xi32>
        %add3A_587 = arith.addi %iota3A, %add3A_586 : vector<16xi32>
        %gather3A_588 = tpu.vector_load_idx %arg8[%add3A_587, %broadcast_in_dim3A_187] : memref<64x1792xf32, #tpu.memory_space<vmem>>[vector<16xi32>, vector<16xi32>], vector<16xf32>,
        %swap3A_589 = arith.constant 992 : index
        %swap3A_590 = tpu.vector_load %arg9[%swap3A_589] {strides = array<i32>} : memref<1024xf32, #tpu.memory_space<vmem>>, vector<16xf32>,
        tpu.vector_store %arg9[%swap3A_589], %gather3A_588 {strides = array<i32>} : memref<1024xf32, #tpu.memory_space<vmem>>, vector<16xf32>,
        %add3A_591 = arith.constant 48 : i32
        %add3A_592 = vector.broadcast %add3A_591 : i32 to vector<16xi32>
        %add3A_593 = arith.addi %iota3A, %add3A_592 : vector<16xi32>
        %gather3A_594 = tpu.vector_load_idx %arg8[%add3A_593, %broadcast_in_dim3A_187] : memref<64x1792xf32, #tpu.memory_space<vmem>>[vector<16xi32>, vector<16xi32>], vector<16xf32>,
        %swap3A_595 = arith.constant 1008 : index
        %swap3A_596 = tpu.vector_load %arg9[%swap3A_595] {strides = array<i32>} : memref<1024xf32, #tpu.memory_space<vmem>>, vector<16xf32>,
        tpu.vector_store %arg9[%swap3A_595], %gather3A_594 {strides = array<i32>} : memref<1024xf32, #tpu.memory_space<vmem>>, vector<16xf32>,
        %gt3A_597 = arith.constant 15 : i32
        %gt3A_598 = arith.cmpi sgt, %squeeze3A_60, %gt3A_597 : i32
        %slice3A_599 = vector.extract_strided_slice %get3A_22 {offsets = [15], sizes = [1], strides = [1]} : vector<16xi32> to vector<1xi32>
        %squeeze3A_600 = vector.extract %slice3A_599[0] : i32 from vector<1xi32>
        %jit3A_601 = arith.constant 16384 : i32
        %select_n3A_602 = arith.select %gt3A_598, %squeeze3A_600, %jit3A_601 : i32
        %mul3A_603 = arith.constant 64 : i32
        %mul3A_604 = arith.muli %select_n3A_602, %mul3A_603 : i32
        %dma_start3A_605 = arith.constant 960 : i32
        %dma_start3A_606 = tpu.memref_slice %arg9[%dma_start3A_605] : memref<1024xf32, #tpu.memory_space<vmem>> -> memref<64xf32, #tpu.memory_space<vmem>>
        %dma_start3A_607 = tpu.memref_slice %arg5[%mul3A_604] : memref<1048640xf32, #tpu.memory_space<hbm>> -> memref<64xf32, #tpu.memory_space<hbm>>
        %dma_start3A_608 = tpu.memref_slice %arg5[%mul3A_604] : memref<1048640xf32, #tpu.memory_space<hbm>> -> memref<64xf32, #tpu.memory_space<hbm>>
        %dma_start3A_609 = arith.constant 960 : i32
        %dma_start3A_610 = tpu.memref_slice %arg9[%dma_start3A_609] : memref<1024xf32, #tpu.memory_space<vmem>> -> memref<64xf32, #tpu.memory_space<vmem>>
        tpu.enqueue_dma source(%dma_start3A_610 : memref<64xf32, #tpu.memory_space<vmem>>) target(%dma_start3A_608 : memref<64xf32, #tpu.memory_space<hbm>>) target_semaphore(%arg12 : memref<!tpu.dma_semaphore, #tpu.memory_space<semaphore_mem>>)
        %dma_wait3A = arith.constant 0 : i32
        %dma_wait3A_611 = tpu.memref_slice %arg9[%dma_wait3A] : memref<1024xf32, #tpu.memory_space<vmem>> -> memref<64xf32, #tpu.memory_space<vmem>>
        %dma_wait3A_612 = tpu.memref_slice %arg5[%mul3A_215] : memref<1048640xf32, #tpu.memory_space<hbm>> -> memref<64xf32, #tpu.memory_space<hbm>>
        %dma_wait3A_613 = tpu.memref_slice %arg5[%mul3A_215] : memref<1048640xf32, #tpu.memory_space<hbm>> -> memref<64xf32, #tpu.memory_space<hbm>>
        %dma_wait3A_614 = arith.constant 0 : i32
        %dma_wait3A_615 = tpu.memref_slice %arg9[%dma_wait3A_614] : memref<1024xf32, #tpu.memory_space<vmem>> -> memref<64xf32, #tpu.memory_space<vmem>>
        tpu.wait_dma2 semaphore(%arg12 : memref<!tpu.dma_semaphore, #tpu.memory_space<semaphore_mem>>) src(%dma_wait3A_615 : memref<64xf32, #tpu.memory_space<vmem>>) dst(%dma_wait3A_613 : memref<64xf32, #tpu.memory_space<hbm>>)
        %dma_wait3A_616 = arith.constant 64 : i32
        %dma_wait3A_617 = tpu.memref_slice %arg9[%dma_wait3A_616] : memref<1024xf32, #tpu.memory_space<vmem>> -> memref<64xf32, #tpu.memory_space<vmem>>
        %dma_wait3A_618 = tpu.memref_slice %arg5[%mul3A_240] : memref<1048640xf32, #tpu.memory_space<hbm>> -> memref<64xf32, #tpu.memory_space<hbm>>
        %dma_wait3A_619 = tpu.memref_slice %arg5[%mul3A_240] : memref<1048640xf32, #tpu.memory_space<hbm>> -> memref<64xf32, #tpu.memory_space<hbm>>
        %dma_wait3A_620 = arith.constant 64 : i32
        %dma_wait3A_621 = tpu.memref_slice %arg9[%dma_wait3A_620] : memref<1024xf32, #tpu.memory_space<vmem>> -> memref<64xf32, #tpu.memory_space<vmem>>
        tpu.wait_dma2 semaphore(%arg12 : memref<!tpu.dma_semaphore, #tpu.memory_space<semaphore_mem>>) src(%dma_wait3A_621 : memref<64xf32, #tpu.memory_space<vmem>>) dst(%dma_wait3A_619 : memref<64xf32, #tpu.memory_space<hbm>>)
        %dma_wait3A_622 = arith.constant 128 : i32
        %dma_wait3A_623 = tpu.memref_slice %arg9[%dma_wait3A_622] : memref<1024xf32, #tpu.memory_space<vmem>> -> memref<64xf32, #tpu.memory_space<vmem>>
        %dma_wait3A_624 = tpu.memref_slice %arg5[%mul3A_266] : memref<1048640xf32, #tpu.memory_space<hbm>> -> memref<64xf32, #tpu.memory_space<hbm>>
        %dma_wait3A_625 = tpu.memref_slice %arg5[%mul3A_266] : memref<1048640xf32, #tpu.memory_space<hbm>> -> memref<64xf32, #tpu.memory_space<hbm>>
        %dma_wait3A_626 = arith.constant 128 : i32
        %dma_wait3A_627 = tpu.memref_slice %arg9[%dma_wait3A_626] : memref<1024xf32, #tpu.memory_space<vmem>> -> memref<64xf32, #tpu.memory_space<vmem>>
        tpu.wait_dma2 semaphore(%arg12 : memref<!tpu.dma_semaphore, #tpu.memory_space<semaphore_mem>>) src(%dma_wait3A_627 : memref<64xf32, #tpu.memory_space<vmem>>) dst(%dma_wait3A_625 : memref<64xf32, #tpu.memory_space<hbm>>)
        %dma_wait3A_628 = arith.constant 192 : i32
        %dma_wait3A_629 = tpu.memref_slice %arg9[%dma_wait3A_628] : memref<1024xf32, #tpu.memory_space<vmem>> -> memref<64xf32, #tpu.memory_space<vmem>>
        %dma_wait3A_630 = tpu.memref_slice %arg5[%mul3A_292] : memref<1048640xf32, #tpu.memory_space<hbm>> -> memref<64xf32, #tpu.memory_space<hbm>>
        %dma_wait3A_631 = tpu.memref_slice %arg5[%mul3A_292] : memref<1048640xf32, #tpu.memory_space<hbm>> -> memref<64xf32, #tpu.memory_space<hbm>>
        %dma_wait3A_632 = arith.constant 192 : i32
        %dma_wait3A_633 = tpu.memref_slice %arg9[%dma_wait3A_632] : memref<1024xf32, #tpu.memory_space<vmem>> -> memref<64xf32, #tpu.memory_space<vmem>>
        tpu.wait_dma2 semaphore(%arg12 : memref<!tpu.dma_semaphore, #tpu.memory_space<semaphore_mem>>) src(%dma_wait3A_633 : memref<64xf32, #tpu.memory_space<vmem>>) dst(%dma_wait3A_631 : memref<64xf32, #tpu.memory_space<hbm>>)
        %dma_wait3A_634 = arith.constant 256 : i32
        %dma_wait3A_635 = tpu.memref_slice %arg9[%dma_wait3A_634] : memref<1024xf32, #tpu.memory_space<vmem>> -> memref<64xf32, #tpu.memory_space<vmem>>
        %dma_wait3A_636 = tpu.memref_slice %arg5[%mul3A_318] : memref<1048640xf32, #tpu.memory_space<hbm>> -> memref<64xf32, #tpu.memory_space<hbm>>
        %dma_wait3A_637 = tpu.memref_slice %arg5[%mul3A_318] : memref<1048640xf32, #tpu.memory_space<hbm>> -> memref<64xf32, #tpu.memory_space<hbm>>
        %dma_wait3A_638 = arith.constant 256 : i32
        %dma_wait3A_639 = tpu.memref_slice %arg9[%dma_wait3A_638] : memref<1024xf32, #tpu.memory_space<vmem>> -> memref<64xf32, #tpu.memory_space<vmem>>
        tpu.wait_dma2 semaphore(%arg12 : memref<!tpu.dma_semaphore, #tpu.memory_space<semaphore_mem>>) src(%dma_wait3A_639 : memref<64xf32, #tpu.memory_space<vmem>>) dst(%dma_wait3A_637 : memref<64xf32, #tpu.memory_space<hbm>>)
        %dma_wait3A_640 = arith.constant 320 : i32
        %dma_wait3A_641 = tpu.memref_slice %arg9[%dma_wait3A_640] : memref<1024xf32, #tpu.memory_space<vmem>> -> memref<64xf32, #tpu.memory_space<vmem>>
        %dma_wait3A_642 = tpu.memref_slice %arg5[%mul3A_344] : memref<1048640xf32, #tpu.memory_space<hbm>> -> memref<64xf32, #tpu.memory_space<hbm>>
        %dma_wait3A_643 = tpu.memref_slice %arg5[%mul3A_344] : memref<1048640xf32, #tpu.memory_space<hbm>> -> memref<64xf32, #tpu.memory_space<hbm>>
        %dma_wait3A_644 = arith.constant 320 : i32
        %dma_wait3A_645 = tpu.memref_slice %arg9[%dma_wait3A_644] : memref<1024xf32, #tpu.memory_space<vmem>> -> memref<64xf32, #tpu.memory_space<vmem>>
        tpu.wait_dma2 semaphore(%arg12 : memref<!tpu.dma_semaphore, #tpu.memory_space<semaphore_mem>>) src(%dma_wait3A_645 : memref<64xf32, #tpu.memory_space<vmem>>) dst(%dma_wait3A_643 : memref<64xf32, #tpu.memory_space<hbm>>)
        %dma_wait3A_646 = arith.constant 384 : i32
        %dma_wait3A_647 = tpu.memref_slice %arg9[%dma_wait3A_646] : memref<1024xf32, #tpu.memory_space<vmem>> -> memref<64xf32, #tpu.memory_space<vmem>>
        %dma_wait3A_648 = tpu.memref_slice %arg5[%mul3A_370] : memref<1048640xf32, #tpu.memory_space<hbm>> -> memref<64xf32, #tpu.memory_space<hbm>>
        %dma_wait3A_649 = tpu.memref_slice %arg5[%mul3A_370] : memref<1048640xf32, #tpu.memory_space<hbm>> -> memref<64xf32, #tpu.memory_space<hbm>>
        %dma_wait3A_650 = arith.constant 384 : i32
        %dma_wait3A_651 = tpu.memref_slice %arg9[%dma_wait3A_650] : memref<1024xf32, #tpu.memory_space<vmem>> -> memref<64xf32, #tpu.memory_space<vmem>>
        tpu.wait_dma2 semaphore(%arg12 : memref<!tpu.dma_semaphore, #tpu.memory_space<semaphore_mem>>) src(%dma_wait3A_651 : memref<64xf32, #tpu.memory_space<vmem>>) dst(%dma_wait3A_649 : memref<64xf32, #tpu.memory_space<hbm>>)
        %dma_wait3A_652 = arith.constant 448 : i32
        %dma_wait3A_653 = tpu.memref_slice %arg9[%dma_wait3A_652] : memref<1024xf32, #tpu.memory_space<vmem>> -> memref<64xf32, #tpu.memory_space<vmem>>
        %dma_wait3A_654 = tpu.memref_slice %arg5[%mul3A_396] : memref<1048640xf32, #tpu.memory_space<hbm>> -> memref<64xf32, #tpu.memory_space<hbm>>
        %dma_wait3A_655 = tpu.memref_slice %arg5[%mul3A_396] : memref<1048640xf32, #tpu.memory_space<hbm>> -> memref<64xf32, #tpu.memory_space<hbm>>
        %dma_wait3A_656 = arith.constant 448 : i32
        %dma_wait3A_657 = tpu.memref_slice %arg9[%dma_wait3A_656] : memref<1024xf32, #tpu.memory_space<vmem>> -> memref<64xf32, #tpu.memory_space<vmem>>
        tpu.wait_dma2 semaphore(%arg12 : memref<!tpu.dma_semaphore, #tpu.memory_space<semaphore_mem>>) src(%dma_wait3A_657 : memref<64xf32, #tpu.memory_space<vmem>>) dst(%dma_wait3A_655 : memref<64xf32, #tpu.memory_space<hbm>>)
        %dma_wait3A_658 = arith.constant 512 : i32
        %dma_wait3A_659 = tpu.memref_slice %arg9[%dma_wait3A_658] : memref<1024xf32, #tpu.memory_space<vmem>> -> memref<64xf32, #tpu.memory_space<vmem>>
        %dma_wait3A_660 = tpu.memref_slice %arg5[%mul3A_422] : memref<1048640xf32, #tpu.memory_space<hbm>> -> memref<64xf32, #tpu.memory_space<hbm>>
        %dma_wait3A_661 = tpu.memref_slice %arg5[%mul3A_422] : memref<1048640xf32, #tpu.memory_space<hbm>> -> memref<64xf32, #tpu.memory_space<hbm>>
        %dma_wait3A_662 = arith.constant 512 : i32
        %dma_wait3A_663 = tpu.memref_slice %arg9[%dma_wait3A_662] : memref<1024xf32, #tpu.memory_space<vmem>> -> memref<64xf32, #tpu.memory_space<vmem>>
        tpu.wait_dma2 semaphore(%arg12 : memref<!tpu.dma_semaphore, #tpu.memory_space<semaphore_mem>>) src(%dma_wait3A_663 : memref<64xf32, #tpu.memory_space<vmem>>) dst(%dma_wait3A_661 : memref<64xf32, #tpu.memory_space<hbm>>)
        %dma_wait3A_664 = arith.constant 576 : i32
        %dma_wait3A_665 = tpu.memref_slice %arg9[%dma_wait3A_664] : memref<1024xf32, #tpu.memory_space<vmem>> -> memref<64xf32, #tpu.memory_space<vmem>>
        %dma_wait3A_666 = tpu.memref_slice %arg5[%mul3A_448] : memref<1048640xf32, #tpu.memory_space<hbm>> -> memref<64xf32, #tpu.memory_space<hbm>>
        %dma_wait3A_667 = tpu.memref_slice %arg5[%mul3A_448] : memref<1048640xf32, #tpu.memory_space<hbm>> -> memref<64xf32, #tpu.memory_space<hbm>>
        %dma_wait3A_668 = arith.constant 576 : i32
        %dma_wait3A_669 = tpu.memref_slice %arg9[%dma_wait3A_668] : memref<1024xf32, #tpu.memory_space<vmem>> -> memref<64xf32, #tpu.memory_space<vmem>>
        tpu.wait_dma2 semaphore(%arg12 : memref<!tpu.dma_semaphore, #tpu.memory_space<semaphore_mem>>) src(%dma_wait3A_669 : memref<64xf32, #tpu.memory_space<vmem>>) dst(%dma_wait3A_667 : memref<64xf32, #tpu.memory_space<hbm>>)
        %dma_wait3A_670 = arith.constant 640 : i32
        %dma_wait3A_671 = tpu.memref_slice %arg9[%dma_wait3A_670] : memref<1024xf32, #tpu.memory_space<vmem>> -> memref<64xf32, #tpu.memory_space<vmem>>
        %dma_wait3A_672 = tpu.memref_slice %arg5[%mul3A_474] : memref<1048640xf32, #tpu.memory_space<hbm>> -> memref<64xf32, #tpu.memory_space<hbm>>
        %dma_wait3A_673 = tpu.memref_slice %arg5[%mul3A_474] : memref<1048640xf32, #tpu.memory_space<hbm>> -> memref<64xf32, #tpu.memory_space<hbm>>
        %dma_wait3A_674 = arith.constant 640 : i32
        %dma_wait3A_675 = tpu.memref_slice %arg9[%dma_wait3A_674] : memref<1024xf32, #tpu.memory_space<vmem>> -> memref<64xf32, #tpu.memory_space<vmem>>
        tpu.wait_dma2 semaphore(%arg12 : memref<!tpu.dma_semaphore, #tpu.memory_space<semaphore_mem>>) src(%dma_wait3A_675 : memref<64xf32, #tpu.memory_space<vmem>>) dst(%dma_wait3A_673 : memref<64xf32, #tpu.memory_space<hbm>>)
        %dma_wait3A_676 = arith.constant 704 : i32
        %dma_wait3A_677 = tpu.memref_slice %arg9[%dma_wait3A_676] : memref<1024xf32, #tpu.memory_space<vmem>> -> memref<64xf32, #tpu.memory_space<vmem>>
        %dma_wait3A_678 = tpu.memref_slice %arg5[%mul3A_500] : memref<1048640xf32, #tpu.memory_space<hbm>> -> memref<64xf32, #tpu.memory_space<hbm>>
        %dma_wait3A_679 = tpu.memref_slice %arg5[%mul3A_500] : memref<1048640xf32, #tpu.memory_space<hbm>> -> memref<64xf32, #tpu.memory_space<hbm>>
        %dma_wait3A_680 = arith.constant 704 : i32
        %dma_wait3A_681 = tpu.memref_slice %arg9[%dma_wait3A_680] : memref<1024xf32, #tpu.memory_space<vmem>> -> memref<64xf32, #tpu.memory_space<vmem>>
        tpu.wait_dma2 semaphore(%arg12 : memref<!tpu.dma_semaphore, #tpu.memory_space<semaphore_mem>>) src(%dma_wait3A_681 : memref<64xf32, #tpu.memory_space<vmem>>) dst(%dma_wait3A_679 : memref<64xf32, #tpu.memory_space<hbm>>)
        %dma_wait3A_682 = arith.constant 768 : i32
        %dma_wait3A_683 = tpu.memref_slice %arg9[%dma_wait3A_682] : memref<1024xf32, #tpu.memory_space<vmem>> -> memref<64xf32, #tpu.memory_space<vmem>>
        %dma_wait3A_684 = tpu.memref_slice %arg5[%mul3A_526] : memref<1048640xf32, #tpu.memory_space<hbm>> -> memref<64xf32, #tpu.memory_space<hbm>>
        %dma_wait3A_685 = tpu.memref_slice %arg5[%mul3A_526] : memref<1048640xf32, #tpu.memory_space<hbm>> -> memref<64xf32, #tpu.memory_space<hbm>>
        %dma_wait3A_686 = arith.constant 768 : i32
        %dma_wait3A_687 = tpu.memref_slice %arg9[%dma_wait3A_686] : memref<1024xf32, #tpu.memory_space<vmem>> -> memref<64xf32, #tpu.memory_space<vmem>>
        tpu.wait_dma2 semaphore(%arg12 : memref<!tpu.dma_semaphore, #tpu.memory_space<semaphore_mem>>) src(%dma_wait3A_687 : memref<64xf32, #tpu.memory_space<vmem>>) dst(%dma_wait3A_685 : memref<64xf32, #tpu.memory_space<hbm>>)
        %dma_wait3A_688 = arith.constant 832 : i32
        %dma_wait3A_689 = tpu.memref_slice %arg9[%dma_wait3A_688] : memref<1024xf32, #tpu.memory_space<vmem>> -> memref<64xf32, #tpu.memory_space<vmem>>
        %dma_wait3A_690 = tpu.memref_slice %arg5[%mul3A_552] : memref<1048640xf32, #tpu.memory_space<hbm>> -> memref<64xf32, #tpu.memory_space<hbm>>
        %dma_wait3A_691 = tpu.memref_slice %arg5[%mul3A_552] : memref<1048640xf32, #tpu.memory_space<hbm>> -> memref<64xf32, #tpu.memory_space<hbm>>
        %dma_wait3A_692 = arith.constant 832 : i32
        %dma_wait3A_693 = tpu.memref_slice %arg9[%dma_wait3A_692] : memref<1024xf32, #tpu.memory_space<vmem>> -> memref<64xf32, #tpu.memory_space<vmem>>
        tpu.wait_dma2 semaphore(%arg12 : memref<!tpu.dma_semaphore, #tpu.memory_space<semaphore_mem>>) src(%dma_wait3A_693 : memref<64xf32, #tpu.memory_space<vmem>>) dst(%dma_wait3A_691 : memref<64xf32, #tpu.memory_space<hbm>>)
        %dma_wait3A_694 = arith.constant 896 : i32
        %dma_wait3A_695 = tpu.memref_slice %arg9[%dma_wait3A_694] : memref<1024xf32, #tpu.memory_space<vmem>> -> memref<64xf32, #tpu.memory_space<vmem>>
        %dma_wait3A_696 = tpu.memref_slice %arg5[%mul3A_578] : memref<1048640xf32, #tpu.memory_space<hbm>> -> memref<64xf32, #tpu.memory_space<hbm>>
        %dma_wait3A_697 = tpu.memref_slice %arg5[%mul3A_578] : memref<1048640xf32, #tpu.memory_space<hbm>> -> memref<64xf32, #tpu.memory_space<hbm>>
        %dma_wait3A_698 = arith.constant 896 : i32
        %dma_wait3A_699 = tpu.memref_slice %arg9[%dma_wait3A_698] : memref<1024xf32, #tpu.memory_space<vmem>> -> memref<64xf32, #tpu.memory_space<vmem>>
        tpu.wait_dma2 semaphore(%arg12 : memref<!tpu.dma_semaphore, #tpu.memory_space<semaphore_mem>>) src(%dma_wait3A_699 : memref<64xf32, #tpu.memory_space<vmem>>) dst(%dma_wait3A_697 : memref<64xf32, #tpu.memory_space<hbm>>)
        %dma_wait3A_700 = arith.constant 960 : i32
        %dma_wait3A_701 = tpu.memref_slice %arg9[%dma_wait3A_700] : memref<1024xf32, #tpu.memory_space<vmem>> -> memref<64xf32, #tpu.memory_space<vmem>>
        %dma_wait3A_702 = tpu.memref_slice %arg5[%mul3A_604] : memref<1048640xf32, #tpu.memory_space<hbm>> -> memref<64xf32, #tpu.memory_space<hbm>>
        %dma_wait3A_703 = tpu.memref_slice %arg5[%mul3A_604] : memref<1048640xf32, #tpu.memory_space<hbm>> -> memref<64xf32, #tpu.memory_space<hbm>>
        %dma_wait3A_704 = arith.constant 960 : i32
        %dma_wait3A_705 = tpu.memref_slice %arg9[%dma_wait3A_704] : memref<1024xf32, #tpu.memory_space<vmem>> -> memref<64xf32, #tpu.memory_space<vmem>>
        tpu.wait_dma2 semaphore(%arg12 : memref<!tpu.dma_semaphore, #tpu.memory_space<semaphore_mem>>) src(%dma_wait3A_705 : memref<64xf32, #tpu.memory_space<vmem>>) dst(%dma_wait3A_703 : memref<64xf32, #tpu.memory_space<hbm>>)
      } else {
      }
      %add3A_197 = arith.addi %scan3A_13, %squeeze3A_60 : i32
      scf.yield %add3A_197, %select_n3A_49 : i32, i32
    }
    %scan3A_11 = arith.constant 512 : i32
    return
  }
}

</mosaic_0001>

<sc_bundles>
// kernel: kernel.3.cloned.1.call-start
scs
__scs_entry_jumppad:
0x0: {  	(pc) =	sbr.rel $0x88, $3  }
0x1: {  	(tag) =	ssettag $0x0;
	lr =	simm.s32 $0x1  }
0x2: {  	[smem:$0x3F9F] =	sst lr;
	_ =	strace $0xD0000000  }
0x3: {  	_ = 	snop  }
0x4: {  	_ = 	snop  }
0x5: {  	_ = 	snop  }
0x6: {  	_ = 	snop  }
0x7: {  	_ = 	snop  }
__scs_overlays_trampoline_lowered:
0x8: {  	[smem:$0x3FAE] =	sst s0  }
0x9: {  	[smem:$0x3FAF] =	sst s1  }
0xa: {  	[smem:$0x3FB0] =	sst s2  }
0xb: {  	[smem:$0x3FB1] =	sst s3  }
0xc: {  	[smem:$0x3FB2] =	sst s4  }
0xd: {  	[smem:$0x3FB3] =	sst s5  }
0xe: {  	[smem:$0x3FB4] =	sst s6  }
0xf: {  	[smem:$0x3FB5] =	sst s7  }
0x10: {  	[smem:$0x3FB6] =	sst s8  }
0x11: {  	[smem:$0x3FB7] =	sst s9;
	s0 =	simm.s32 @!p0 $0x0  }
0x12: {  	s1 =	sld [smem:$0x3F9D];
	s0 =	simm.s32 @p0 $0x1  }
0x13: {  	[smem:$0x3FB8] =	sst s0;
	s0 =	simm.s32 @!p1 $0x0  }
0x14: {  	s2 =	sld [smem:$0x3F9C];
	s0 =	simm.s32 @p1 $0x1  }
0x15: {  	[smem:$0x3FB9] =	sst s0;
	s0 =	simm.s32 @!p2 $0x0  }
0x16: {  	s3 =	sld [smem:$0x3FDB];
	s0 =	simm.s32 @p2 $0x1  }
0x17: {  	s4 =	simm.s32 $0x1BF5;
	[smem:$0x3FBB] =	sst s0  }
0x18: {  	s0 =	sld [smem:$0x3F9E];
	_ =	swait.ge [sflag:s4], $0x0  }
0x19: {  	s7 =	sld [smem:$0x3F9F]  }
0x1a: {  	s8 =	sadd.s32 $0xFFFFE003, lr  }
0x1b: {  	s9 =	sadd.s32 $0xFFFFFEF7, lr;
	s5 =	simm.s32 $0xFFFFFFFF;
	p2 =	slt.u32 s8, $0xFFFFF086  }
0x1c: {  	p1 =	slt.u32 s9, $0xF7A;
	s5 =	simm.s32 @!p2 $0x0  }
0x1d: {  	s5 =	simm.s32 @p1 $0x1;
	p0 =	seq.s32 s7, s2  }
0x1e: {  	s7 =	smul.u32 @!p0 $0xF7A, s2;
	p2 =	seq.s32 @!p0 s5, $0x0  }
0x1f: {  	s9 =	smul.u32 $0xF7A, s1;
	s8 =	simm.s32 @!p0 $0x1BF5;
	p2 =	por !p2, p0  }
0x20: {  	[sflag:s8] =	ssyncset.s32 @!p0 $0xFFFFF086;
	s6 =	sadd.s32 @!p0 s3, s7;
	s7 =	simm.s32 @!p0 $0x108  }
0x21: {  	s3 =	sadd.s32 s3, s9;
	s6 =	sadd.s32 @!p0 $0x88, s6;
	s7 =	simm.s32 @p2 $0x1082  }
0x22: {  	[simem:s7], [sflag:s8] =	dma.local @!p0 [hbm:s6], $0xF7A  }
0x23: {  	s9 =	sor.u32 $0xD0000000, s2;
	s6 =	simm.s32 $0x108;
	_ =	swait.ge @!p0 [sflag:s8], $0x0  }
0x24: {  	s3 =	sadd.s32 $0x88, s3;
	s6 =	simm.s32 @!p1 $0x1082;
	[sflag:s4] =	ssyncset.s32 $0xFFFFF086  }
0x25: {  	[simem:s6], [sflag:s4] =	dma.local [hbm:s3], $0xF7A  }
0x26: {  	[smem:$0x3F9F] =	sst s1;
	(tag) =	ssettag s2;
	_ =	strace s9  }
0x27: {  	s1 =	sld [smem:$0x3FAF]  }
0x28: {  	s2 =	sld [smem:$0x3FB0]  }
0x29: {  	s4 =	sld [smem:$0x3FB2]  }
0x2a: {  	p0 =	seq.s32 s5, $0x0;
	s5 =	sld [smem:$0x3FB3]  }
0x2b: {  	s6 =	sld [smem:$0x3FB4]  }
0x2c: {  	s7 =	sld [smem:$0x3FB5]  }
0x2d: {  	s3 =	simm.s32 $0x108;
	s8 =	sld [smem:$0x3FB6]  }
0x2e: {  	s3 =	simm.s32 @!p0 $0x1082;
	s9 =	sld [smem:$0x3FB7]  }
0x2f: {  	lr =	sadd.s32 s0, s3;
	s0 =	sld [smem:$0x3FAE]  }
0x30: {  	s3 =	sld [smem:$0x3FB1]  }
0x31: {  	[smem:$0x3FBA] =	sst s10  }
0x32: {  	s10 =	sld [smem:$0x3FB8];
	_ =	sdelay $0x3  }
0x33: {  	p0 =	seq.s32 s10, $0x1;
	s10 =	sld [smem:$0x3FBA];
	_ =	sdelay $0x3  }
0x34: {  	[smem:$0x3FBA] =	sst s10  }
0x35: {  	s10 =	sld [smem:$0x3FB9];
	_ =	sdelay $0x3  }
0x36: {  	p1 =	seq.s32 s10, $0x1;
	s10 =	sld [smem:$0x3FBA];
	_ =	sdelay $0x3  }
0x37: {  	[smem:$0x3FBA] =	sst s10  }
0x38: {  	s10 =	sld [smem:$0x3FBB]  }
0x39: {  	_ = 	snop;
	(pc) =	sbr.ind lr, $3  }
0x3a: {  	_ = 	snop  }
0x3b: {  	_ = 	snop  }
0x3c: {  	p2 =	seq.s32 s10, $0x1;
	s10 =	sld [smem:$0x3FBA]  }
0x3d: {  	_ =	shalt  }
0x3e: {  	_ =	shalt  }
0x3f: {  	_ =	shalt  }
0x40: {  	_ =	shalt  }
0x41: {  	_ =	shalt  }
0x42: {  	_ =	shalt  }
0x43: {  	_ =	shalt  }
0x44: {  	_ =	shalt  }
0x45: {  	_ =	shalt  }
0x46: {  	_ =	shalt  }
0x47: {  	_ =	shalt  }
0x48: {  	_ =	shalt  }
0x49: {  	_ =	shalt  }
0x4a: {  	_ =	shalt  }
0x4b: {  	_ =	shalt  }
0x4c: {  	_ =	shalt  }
0x4d: {  	_ =	shalt  }
0x4e: {  	_ =	shalt  }
0x4f: {  	_ =	shalt  }
0x50: {  	_ =	shalt  }
0x51: {  	_ =	shalt  }
0x52: {  	_ =	shalt  }
0x53: {  	_ =	shalt  }
0x54: {  	_ =	shalt  }
0x55: {  	_ =	shalt  }
0x56: {  	_ =	shalt  }
0x57: {  	_ =	shalt  }
0x58: {  	_ =	shalt  }
0x59: {  	_ =	shalt  }
0x5a: {  	_ =	shalt  }
0x5b: {  	_ =	shalt  }
0x5c: {  	_ =	shalt  }
0x5d: {  	_ =	shalt  }
0x5e: {  	_ =	shalt  }
0x5f: {  	_ =	shalt  }
0x60: {  	_ =	shalt  }
0x61: {  	_ =	shalt  }
0x62: {  	_ =	shalt  }
0x63: {  	_ =	shalt  }
0x64: {  	_ =	shalt  }
0x65: {  	_ =	shalt  }
0x66: {  	_ =	shalt  }
0x67: {  	_ =	shalt  }
0x68: {  	_ =	shalt  }
0x69: {  	_ =	shalt  }
0x6a: {  	_ =	shalt  }
0x6b: {  	_ =	shalt  }
0x6c: {  	_ =	shalt  }
0x6d: {  	_ =	shalt  }
0x6e: {  	_ =	shalt  }
0x6f: {  	_ =	shalt  }
0x70: {  	_ =	shalt  }
0x71: {  	_ =	shalt  }
0x72: {  	_ =	shalt  }
0x73: {  	_ =	shalt  }
0x74: {  	_ =	shalt  }
0x75: {  	_ =	shalt  }
0x76: {  	_ =	shalt  }
0x77: {  	_ =	shalt  }
0x78: {  	_ =	shalt  }
0x79: {  	_ =	shalt  }
0x7a: {  	_ =	shalt  }
0x7b: {  	_ =	shalt  }
0x7c: {  	_ =	shalt  }
0x7d: {  	_ =	shalt  }
0x7e: {  	_ =	shalt  }
0x7f: {  	_ =	shalt  }
0x80: {  	_ =	shalt  }
0x81: {  	_ =	shalt  }
0x82: {  	_ =	shalt  }
0x83: {  	_ =	shalt  }
0x84: {  	_ =	shalt  }
0x85: {  	_ =	shalt  }
0x86: {  	_ =	shalt  }
0x87: {  	_ =	shalt  }
.Lfunc_end0:
.L_simem_size_0:
called_computation_lowered:
.L_overlay_start_0:
0x88: {  	s2 =	sld [smem:$0x3FD9]  }
0x89: {  	s3 =	sld [smem:$0x3FFE];
	_ =	sdelay $0x1  }
0x8a: {  	s1 =	srdreg.scid  }
0x8b: {  	s0 =	sand.u32 $0x1, s1  }
0x8c: {  	s17 =	sshll.u32 s0, $0xA;
	s2 =	sadd.s32 s3, s2  }
0x8d: {  	s2 =	sadd.s32 s2, s17  }
0x8e: {  	[smem:$0x3FC6] =	sst s2  }
0x8f: {  	_ = 	snop  }
0x90: {  	s2 =	sld [smem:$0x3FC9]  }
0x91: {  	s18 =	sld [smem:$0x3FD0];
	(tm) =	ssettm $0x1  }
0x92: {  	s4 =	sld [smem:$0x3FFB];
	_ =	sdelay $0x3  }
0x93: {  	_ =	strace s4  }
0x94: {  	s4 =	sld [smem:$0x3FFC];
	_ =	sdelay $0x3  }
0x95: {  	_ =	strace s4  }
0x96: {  	s4 =	sld [smem:$0x3FFD];
	_ =	sdelay $0x3  }
0x97: {  	_ =	strace s4  }
0x98: {  	_ =	strace $0x8FFFFFFF  }
0x99: {  	s19 =	sld [smem:$0x3FDB];
	_ =	sdelay $0x1  }
0x9a: {  	s5 =	simm.s32 $_scs_section_size  }
0x9b: {  	s6 =	simm.s32 $_size__tile_overlayer_lowered;
	s7 =	simm.s32 $_tile_overlayer_lowered  }
0x9c: {  	s22 =	simm.s32 $0x1BFF;
	s21 =	sshll.u32 s7, $0x1;
	s4 =	sadd.s32 s5, s19  }
0x9d: {  	s8 =	simm.s32 $0x0;
	s20 =	sshll.u32 s6, $0x1;
	s6 =	sadd.s32 s21, s4  }
0x9e: {  	[timem:s8], [sflag:s22] =	dma.local [hbm:s6], s20  }
0x9f: {  	_ =	swait.ge [sflag:s22], s20  }
0xa0: {  	s5 =	ssub.s32 $0x0, s20;
	[sflag:s22] =	ssyncset.done $0x0  }
0xa1: {  	[sflag:s22] =	ssyncadd.s32 s5;
	_ =	sdelay $0x1  }
0xa2: {  	s23 =	simm.s32 $0x1B8B  }
0xa3: {  	_ =	swait.ge [sflag:s23], $0x1  }
0xa4: {  	[sflag:s23] =	ssyncset.done $0x0  }
0xa5: {  	s25 =	simm.s32 $0x1B8E;
	s24 =	sld [smem:$0x3FFE];
	[sflag:s23] =	ssyncadd.s32 $0xFFFFFFFF  }
0xa6: {  	s26 =	simm.s32 $execute0_lowered;
	[smem:$0x3FD2] =	sst s25  }
0xa7: {  	s6 =	sshll.u32 s26, $0x1;
	_ =	strace $0x80000046;
	[dreg:$0x1] =	wrdreg $0xFFFFFFFF  }
0xa8: {  	s28 =	simm.s32 $_size_execute0_lowered;
	s4 =	sadd.s32 s4, s6;
	[dreg:$0x0] =	wrdreg $0x0  }
0xa9: {  	s6 =	sshll.u32 s28, $0x1;
	[dreg:$0x2] =	wrdreg s4  }
0xaa: {  	[dreg:$0x3] =	wrdreg s6  }
0xab: {  	[dreg:$0x4] =	wrdreg $0xC0  }
0xac: {  	_ =	task [dreg:s8], $0x5FFFF  }
0xad: {  	[dreg:$0x1] =	wrdreg $0xFFFFFFFF  }
0xae: {  	[dreg:$0x0] =	wrdreg $0x60  }
0xaf: {  	[dreg:$0x2] =	wrdreg s2  }
0xb0: {  	[dreg:$0x3] =	wrdreg s18  }
0xb1: {  	[dreg:$0x4] =	wrdreg s24  }
0xb2: {  	[dreg:$0x5] =	wrdreg $0x9  }
0xb3: {  	_ =	task.clear_ibuf [dreg:s8], $0x6FFFF;
	_ =	strace $0x90000046  }
0xb4: {  	s29 =	simm.s32 $0x9;
	_ =	strace $0x80000048  }
0xb5: {  	_ =	swait.ge [sflag:s29], $0x1  }
0xb6: {  	[sflag:s29] =	ssyncadd.s32 $0xFFFFFFFF  }
0xb7: {  	_ =	strace $0x90000048  }
0xb8: {  	_ =	sfence  }
0xb9: {  	s30 =	sld [smem:$0x0];
	_ =	sdelay $0x2  }
0xba: {  	s31 =	sshll.u32 s1, $0xD;
	s1 =	sshrl.u32 s1, $0x2  }
0xbb: {  	s3 =	sand.u32 $0x4000, s31;
	s1 =	sadd.s32 s1, s30  }
0xbc: {  	s0 =	sor.u32 s3, s0;
	s1 =	sshll.u32 s1, $0x11  }
0xbd: {  	s0 =	sor.u32 s1, s0  }
0xbe: {  	s0 =	sadd.s32 $0x8F2B, s0  }
0xbf: {  	[sflag:s0] =	ssyncadd.remote.s32 $0x1  }
0xc0: {  	_ =	sfence.sel $0xFFFF  }
0xc1: {  	[dreg:$0x0] =	wrdreg $0xFFFFFFFF;
	(pc) =	sbr.abs _section_cstart, $3  }
0xc2: {  	[dreg:$0x1] =	wrdreg $0xFFFFFFFF  }
0xc3: {  	_ =	task.clear_ibuf [dreg:s8], $0x2FFFF;
	_ =	strace $0x9FFFFFFF  }
0xc4: {  	(tm) =	ssettm $0x7FFFFFFF  }
0xc5: {  	_ =	shalt  }
tec
execute0_lowered:
.L_overlay_start_1:
0x0: {  	(tag) =	ssettag $0x1  }
0x1: {  	v0 =	vimm.s32 $0x3B80;
	vm14 =	vcmask $0x300  }
0x2: {  	vm13 =	vcmask $0x704;
	vm12 =	vcmask $0xB08;
	vm11 =	vcmask $0xF0C  }
0x3: {  	vm10 =	vcmask $0x1310;
	vm9 =	vcmask $0x1714;
	vm8 =	vcmask $0x1B18  }
0x4: {  	vm7 =	vcmask $0x1F1C;
	vm6 =	vcmask $0x2320;
	vm5 =	vcmask $0x2724  }
0x5: {  	vm4 =	vcmask $0x2B28;
	vm3 =	vcmask $0x2F2C;
	vm2 =	vcmask $0x3330  }
0x6: {  	vm1 =	vcmask $0x3734;
	vm0 =	vcmask $0x3B38;
	v2 =	vimm.s32 $0xAB80  }
0x7: {  	v3 =	vimm.s32 $0x11B80;
	v4 =	vimm.s32 $0x18B80;
	v0 =	vsel vm14, $0x0, v0  }
0x8: {  	v2 =	vsel vm14, $0x7000, v2;
	v3 =	vsel vm14, $0xE000, v3;
	v4 =	vsel vm14, $0x15000, v4  }
0x9: {  	v0 =	vsel vm13, $0x80, v0;
	v2 =	vsel vm13, $0x7080, v2;
	v3 =	vsel vm13, $0xE080, v3  }
0xa: {  	v4 =	vsel vm13, $0x15080, v4;
	v0 =	vsel vm12, $0x100, v0;
	v2 =	vsel vm12, $0x7100, v2  }
0xb: {  	v3 =	vsel vm12, $0xE100, v3;
	v4 =	vsel vm12, $0x15100, v4;
	v0 =	vsel vm11, $0x180, v0  }
0xc: {  	v2 =	vsel vm11, $0x7180, v2;
	v3 =	vsel vm11, $0xE180, v3;
	v4 =	vsel vm11, $0x15180, v4  }
0xd: {  	v0 =	vsel vm10, $0x200, v0;
	v2 =	vsel vm10, $0x7200, v2;
	v3 =	vsel vm10, $0xE200, v3  }
0xe: {  	v4 =	vsel vm10, $0x15200, v4;
	v0 =	vsel vm9, $0x280, v0;
	v2 =	vsel vm9, $0x7280, v2  }
0xf: {  	v3 =	vsel vm9, $0xE280, v3;
	v4 =	vsel vm9, $0x15280, v4;
	v0 =	vsel vm8, $0x300, v0  }
0x10: {  	s0 =	rddreg [dreg:$0x0];
	v2 =	vsel vm8, $0x7300, v2;
	v3 =	vsel vm8, $0xE300, v3;
	v4 =	vsel vm8, $0x15300, v4  }
0x11: {  	s1 =	rddreg [dreg:$0x1];
	v0 =	vsel vm7, $0x380, v0;
	v2 =	vsel vm7, $0x7380, v2;
	v3 =	vsel vm7, $0xE380, v3  }
0x12: {  	s3 =	rddreg [dreg:$0x2];
	s2 =	simm.s32 $0x0;
	s4 =	srdreg.scid;
	v4 =	vsel vm7, $0x15380, v4;
	v0 =	vsel vm6, $0x3800, v0;
	v2 =	vsel vm6, $0xA800, v2  }
0x13: {  	s6 =	stileid.u32;
	s10 =	simm.s32 $0x1;
	s11 =	simm.s32 $0x7A1400;
	v3 =	vsel vm6, $0x11800, v3;
	v4 =	vsel vm6, $0x18800, v4;
	v0 =	vsel vm5, $0x3880, v0  }
0x14: {  	s12 =	simm.s32 $0x3800;
	s13 =	simm.s32 $0x500;
	s29 =	simm.s32 $0x1C840;
	v2 =	vsel vm5, $0xA880, v2;
	v3 =	vsel vm5, $0x11880, v3;
	v4 =	vsel vm5, $0x18880, v4  }
0x15: {  	s30 =	simm.s32 $0x1C880;
	s31 =	simm.s32 $0x1C8C0;
	s4 =	sand.u32 $0x1, s4;
	v0 =	vsel vm4, $0x3900, v0;
	v2 =	vsel vm4, $0xA900, v2;
	v3 =	vsel vm4, $0x11900, v3  }
0x16: {  	s6 =	sshll.u32 s6, $0x7;
	s5 =	ssub.s32 $0x2, s4;
	s4 =	sshll.u32 s4, $0x6;
	v4 =	vsel vm4, $0x18900, v4;
	v0 =	vsel vm3, $0x3980, v0;
	v2 =	vsel vm3, $0xA980, v2  }
.Ltmp0:
0x17: {  	[smem:$0x7FF] =	sst s2;
	s6 =	sor.u32 s4, s6;
	v3 =	vsel vm3, $0x11980, v3;
	v4 =	vsel vm3, $0x18980, v4;
	v0 =	vsel vm2, $0x3A00, v0;
	(pc) =	sbr.rel .LBB2_1-.Ltmp0, $4  }
0x18: {  	_ =	strace $0x80000047;
	s7 =	sshrl.u32 s5, $0x1;
	s1 =	sadd.s32 s1, s6;
	v2 =	vsel vm2, $0xAA00, v2;
	v3 =	vsel vm2, $0x11A00, v3;
	v4 =	vsel vm2, $0x18A00, v4  }
0x19: {  	s5 =	ssub.s32 s5, s7;
	s26 =	sadd.s32 s3, s6;
	[dreg:$0x4] =	wrdreg s1;
	v1 =	vsel vm1, $0x3A80, v0;
	v0 =	vimm.s32 $0x7FFFFFFF;
	v2 =	vsel vm1, $0xAA80, v2  }
0x1a: {  	s4 =	sadd.s32 $0x800, s3;
	[dreg:$0x5] =	wrdreg s26;
	s28 =	smax.u32 s5, $0x1;
	v3 =	vsel vm1, $0x11A80, v3;
	v4 =	vsel vm1, $0x18A80, v4;
	v1 =	vsel vm0, $0x3B00, v1  }
0x1b: {  	s1 =	simm.s32 $0x3;
	s5 =	simm.s32 $0x0;
	[dreg:$0x6] =	wrdreg s28;
	v2 =	vsel vm0, $0xAB00, v2;
	v3 =	vsel vm0, $0x11B00, v3;
	v4 =	vsel vm0, $0x18B00, v4  }
.LBB2_7:
0x1c: {  	s5 =	rddreg [dreg:$0x7]  }
0x1d: {  	s3 =	rddreg [dreg:$0x6];
	s5 =	sadd.s32 $0x1, s5  }
0x1e: {  	p0 =	sne.s32 s5, s3  }
.Ltmp1:
0x1f: {  	_ = 	snop;
	(pc) =	sbr.rel @!p0 .LBB2_8-.Ltmp1, $1  }
0x20: {  	_ =	sdelay $0x3  }
.LBB2_1:
0x21: {  	[dreg:$0x7] =	wrdreg s5  }
0x22: {  	s3 =	rddreg [dreg:$0x4];
	s26 =	simm.s32 $0x4  }
0x23: {  	[tilespmem:s2], [sflag:$0x4] =	stream.linear.gather [hbm4b:s3+s2], $0x200, $0x38;
	[tilespmem:$0x1C900] =	vst v63  }
0x24: {  	_ =	swait.ge [sflag:s26], $0x200  }
0x25: {  	[sflag:s26] =	ssyncset.done $0x0  }
0x26: {  	s6 =	simm.s32 $0x280;
	s28 =	rddreg [dreg:$0x5];
	[sflag:s26] =	ssyncadd.s32 $0xFFFFFE00  }
0x27: {  	[tilespmem:s6], [sflag:$0x4] =	stream.linear.gather [hbm4b:s28+s2], $0x200, $0x38;
	[tilespmem:$0x1C900] =	vst v63  }
.Ltmp2:
0x28: {  	_ = 	snop;
	(pc) =	sbr.rel .LBB2_2-.Ltmp2, $4  }
0x29: {  	_ =	swait.ge [sflag:s26], $0x200  }
0x2a: {  	[sflag:s26] =	ssyncset.done $0x0  }
0x2b: {  	[sflag:s26] =	ssyncadd.s32 $0xFFFFFE00  }
0x2c: {  	s9 =	simm.s32 $0xFFFFFFFF;
	s5 =	simm.s32 $0x200;
	s6 =	simm.s32 $0x0;
	[tilespmem:$0x200] =	vst v0  }
.LBB2_3:
0x2d: {  	s7 =	sshll.u32 s9, $0xA  }
0x2e: {  	s14 =	sshrl.u32 s7, $0x3;
	s7 =	sadd.s32 $0x1E85000, s7  }
0x2f: {  	s26 =	sadd.s32 $0x700, s3;
	s14 =	sadd.s32 s0, s14;
	s7 =	sshrl.u32 s7, $0x3  }
0x30: {  	[tilespmem:s13], [sflag:$0x1] =	stream.strided.gather [hbm4b:s14+s12], $0xE000, s11, s12, $0x38;
	[tilespmem:$0x1C900] =	vst v63  }
0x31: {  	s28 =	simm.s32 $0xE500;
	vm0 =	vlt.s32 v6, s26;
	s7 =	sadd.s32 s0, s7  }
0x32: {  	v7 =	vmpcnt.ones.xlane vm0;
	[tilespmem:s28], [sflag:$0x2] =	stream.strided.gather [hbm4b:s7+s12], $0xE000, s11, s12, $0x38;
	[tilespmem:$0x1C900] =	vst v63  }
0x33: {  	_ =	swait.ge [sflag:s10], $0xE000  }
0x34: {  	(v2sf) =	vpush v7, $0x0;
	_ =	sdelay $0xd  }
0x35: {  	[sflag:s10] =	ssyncset.done $0x0  }
0x36: {  	[sflag:s10] =	ssyncadd.s32 $0xFFFF2000;
	s7 =	spop (v2sf)  }
.LBB2_5:
0x37: {  	v7 =	vmov s3  }
0x38: {  	v6 =	vsub.s32 v6, v7  }
0x39: {  	(v2sf) =	vpush v6, $0xE  }
0x3a: {  	(v2sf) =	vpush v6, $0xD  }
0x3b: {  	(v2sf) =	vpush v6, $0xC  }
0x3c: {  	(v2sf) =	vpush v6, $0xB  }
0x3d: {  	(v2sf) =	vpush v6, $0xA  }
0x3e: {  	(v2sf) =	vpush v6, $0x9  }
0x3f: {  	(v2sf) =	vpush v6, $0x8  }
0x40: {  	(v2sf) =	vpush v6, $0x7  }
0x41: {  	(v2sf) =	vpush v6, $0x6  }
0x42: {  	(v2sf) =	vpush v6, $0x5  }
0x43: {  	(v2sf) =	vpush v6, $0x4  }
0x44: {  	(v2sf) =	vpush v6, $0x3  }
0x45: {  	(v2sf) =	vpush v6, $0x2  }
0x46: {  	(v2sf) =	vpush v6, $0x1;
	_ =	sdelay $0x1  }
0x47: {  	s14 =	spop (v2sf)  }
0x48: {  	s19 =	ssub.s32 s16, s3;
	s15 =	spop (v2sf)  }
0x49: {  	p1 =	sgt.s32 s19, $0x0;
	s16 =	spop (v2sf)  }
0x4a: {  	s19 =	simm.s32 @!p1 $0x0;
	s17 =	spop (v2sf)  }
0x4b: {  	s20 =	smin.u32 s19, $0x6FF;
	s18 =	spop (v2sf)  }
0x4c: {  	v6 =	vmov s20;
	s19 =	spop (v2sf)  }
0x4d: {  	v7 =	vshll.u32 v6, $0x3;
	s20 =	spop (v2sf)  }
0x4e: {  	v6 =	vand.u32 $0x7F, v6;
	v7 =	vand.u32 $0x3C00, v7;
	s21 =	spop (v2sf)  }
0x4f: {  	v8 =	vor.u32 v6, v7;
	s22 =	spop (v2sf)  }
0x50: {  	v9 =	vadd.s32 v1, v8;
	s23 =	spop (v2sf)  }
0x51: {  	s24 =	spop (v2sf)  }
0x52: {  	s25 =	spop (v2sf)  }
0x53: {  	s26 =	spop (v2sf)  }
0x54: {  	s28 =	spop (v2sf)  }
0x55: {  	v9 =	vld.idx.msk [tilespmem:v9+s13+$0x0], $0xffff;
	p1 =	sgt.s32 s28, $0x0  }
0x56: {  	v10 =	vadd.s32 v2, v8;
	s28 =	simm.s32 @!p1 $0x0  }
0x57: {  	s28 =	smin.u32 s28, $0x6FF  }
0x58: {  	v37 =	vmov s28  }
0x59: {  	v11 =	vshll.u32 v37, $0x3  }
0x5a: {  	[tilespmem:$0x1C500] =	vst v9;
	v8 =	vand.u32 $0x7F, v37;
	v22 =	vand.u32 $0x3C00, v11  }
0x5b: {  	v9 =	vld.idx.msk [tilespmem:v10+s13+$0x0], $0xffff;
	v38 =	vor.u32 v8, v22  }
0x5c: {  	v39 =	vadd.s32 v1, v38;
	_ =	sdelay $0x3  }
0x5d: {  	[tilespmem:$0x1C510] =	vst v9  }
0x5e: {  	p1 =	sgt.s32 s26, $0x0;
	v9 =	vld.idx.msk [tilespmem:v39+s13+$0x0], $0xffff  }
0x5f: {  	s26 =	simm.s32 @!p1 $0x0;
	v10 =	vadd.s32 v2, v38  }
0x60: {  	s26 =	smin.u32 s26, $0x6FF  }
0x61: {  	v40 =	vmov s26  }
0x62: {  	v12 =	vshll.u32 v40, $0x3  }
0x63: {  	v23 =	vand.u32 $0x3C00, v12;
	[tilespmem:$0x1C540] =	vst v9;
	v9 =	vand.u32 $0x7F, v40  }
0x64: {  	v10 =	vld.idx.msk [tilespmem:v10+s13+$0x0], $0xffff;
	v11 =	vor.u32 v9, v23  }
0x65: {  	v41 =	vadd.s32 v1, v11;
	_ =	sdelay $0x3  }
0x66: {  	[tilespmem:$0x1C550] =	vst v10  }
0x67: {  	p1 =	sgt.s32 s25, $0x0;
	v10 =	vld.idx.msk [tilespmem:v41+s13+$0x0], $0xffff  }
0x68: {  	s25 =	simm.s32 @!p1 $0x0;
	v11 =	vadd.s32 v2, v11  }
0x69: {  	s25 =	smin.u32 s25, $0x6FF  }
0x6a: {  	v42 =	vmov s25  }
0x6b: {  	v13 =	vshll.u32 v42, $0x3  }
0x6c: {  	v24 =	vand.u32 $0x3C00, v13;
	[tilespmem:$0x1C580] =	vst v10;
	v10 =	vand.u32 $0x7F, v42  }
0x6d: {  	v11 =	vld.idx.msk [tilespmem:v11+s13+$0x0], $0xffff;
	v12 =	vor.u32 v10, v24  }
0x6e: {  	v43 =	vadd.s32 v1, v12;
	_ =	sdelay $0x3  }
0x6f: {  	[tilespmem:$0x1C590] =	vst v11  }
0x70: {  	p1 =	sgt.s32 s24, $0x0;
	v11 =	vld.idx.msk [tilespmem:v43+s13+$0x0], $0xffff  }
0x71: {  	s24 =	simm.s32 @!p1 $0x0;
	v12 =	vadd.s32 v2, v12  }
0x72: {  	s24 =	smin.u32 s24, $0x6FF  }
0x73: {  	v44 =	vmov s24  }
0x74: {  	v14 =	vshll.u32 v44, $0x3  }
0x75: {  	v25 =	vand.u32 $0x3C00, v14;
	[tilespmem:$0x1C5C0] =	vst v11;
	v11 =	vand.u32 $0x7F, v44  }
0x76: {  	v12 =	vld.idx.msk [tilespmem:v12+s13+$0x0], $0xffff;
	v13 =	vor.u32 v11, v25  }
0x77: {  	v45 =	vadd.s32 v1, v13;
	_ =	sdelay $0x3  }
0x78: {  	[tilespmem:$0x1C5D0] =	vst v12  }
0x79: {  	p1 =	sgt.s32 s23, $0x0;
	v12 =	vld.idx.msk [tilespmem:v45+s13+$0x0], $0xffff  }
0x7a: {  	s23 =	simm.s32 @!p1 $0x0;
	v13 =	vadd.s32 v2, v13  }
0x7b: {  	s23 =	smin.u32 s23, $0x6FF  }
0x7c: {  	v46 =	vmov s23  }
0x7d: {  	v15 =	vshll.u32 v46, $0x3  }
0x7e: {  	v26 =	vand.u32 $0x3C00, v15;
	[tilespmem:$0x1C600] =	vst v12;
	v12 =	vand.u32 $0x7F, v46  }
0x7f: {  	v13 =	vld.idx.msk [tilespmem:v13+s13+$0x0], $0xffff;
	v14 =	vor.u32 v12, v26  }
0x80: {  	v47 =	vadd.s32 v1, v14;
	_ =	sdelay $0x3  }
0x81: {  	[tilespmem:$0x1C610] =	vst v13  }
0x82: {  	p1 =	sgt.s32 s22, $0x0;
	v13 =	vld.idx.msk [tilespmem:v47+s13+$0x0], $0xffff  }
0x83: {  	s22 =	simm.s32 @!p1 $0x0;
	v14 =	vadd.s32 v2, v14  }
0x84: {  	s22 =	smin.u32 s22, $0x6FF  }
0x85: {  	v48 =	vmov s22  }
0x86: {  	v16 =	vshll.u32 v48, $0x3  }
0x87: {  	v27 =	vand.u32 $0x3C00, v16;
	[tilespmem:$0x1C640] =	vst v13;
	v13 =	vand.u32 $0x7F, v48  }
0x88: {  	v14 =	vld.idx.msk [tilespmem:v14+s13+$0x0], $0xffff;
	v15 =	vor.u32 v13, v27  }
0x89: {  	v49 =	vadd.s32 v1, v15;
	_ =	sdelay $0x3  }
0x8a: {  	[tilespmem:$0x1C650] =	vst v14  }
0x8b: {  	p1 =	sgt.s32 s21, $0x0;
	v14 =	vld.idx.msk [tilespmem:v49+s13+$0x0], $0xffff  }
0x8c: {  	s21 =	simm.s32 @!p1 $0x0;
	v15 =	vadd.s32 v2, v15  }
0x8d: {  	s21 =	smin.u32 s21, $0x6FF  }
0x8e: {  	v50 =	vmov s21  }
0x8f: {  	v17 =	vshll.u32 v50, $0x3  }
0x90: {  	v28 =	vand.u32 $0x3C00, v17;
	[tilespmem:$0x1C680] =	vst v14;
	v14 =	vand.u32 $0x7F, v50  }
0x91: {  	v15 =	vld.idx.msk [tilespmem:v15+s13+$0x0], $0xffff;
	v16 =	vor.u32 v14, v28  }
0x92: {  	v51 =	vadd.s32 v1, v16;
	_ =	sdelay $0x3  }
0x93: {  	[tilespmem:$0x1C690] =	vst v15  }
0x94: {  	p1 =	sgt.s32 s20, $0x0;
	v15 =	vld.idx.msk [tilespmem:v51+s13+$0x0], $0xffff  }
0x95: {  	s20 =	simm.s32 @!p1 $0x0;
	v16 =	vadd.s32 v2, v16  }
0x96: {  	s20 =	smin.u32 s20, $0x6FF  }
0x97: {  	v52 =	vmov s20  }
0x98: {  	v18 =	vshll.u32 v52, $0x3  }
0x99: {  	v29 =	vand.u32 $0x3C00, v18;
	[tilespmem:$0x1C6C0] =	vst v15;
	v15 =	vand.u32 $0x7F, v52  }
0x9a: {  	v16 =	vld.idx.msk [tilespmem:v16+s13+$0x0], $0xffff;
	v17 =	vor.u32 v15, v29  }
0x9b: {  	v53 =	vadd.s32 v1, v17;
	_ =	sdelay $0x3  }
0x9c: {  	[tilespmem:$0x1C6D0] =	vst v16  }
0x9d: {  	p1 =	sgt.s32 s19, $0x0;
	v16 =	vld.idx.msk [tilespmem:v53+s13+$0x0], $0xffff  }
0x9e: {  	s19 =	simm.s32 @!p1 $0x0;
	v17 =	vadd.s32 v2, v17  }
0x9f: {  	s19 =	smin.u32 s19, $0x6FF  }
0xa0: {  	v54 =	vmov s19  }
0xa1: {  	v19 =	vshll.u32 v54, $0x3  }
0xa2: {  	v30 =	vand.u32 $0x3C00, v19;
	[tilespmem:$0x1C700] =	vst v16;
	v16 =	vand.u32 $0x7F, v54  }
0xa3: {  	v17 =	vld.idx.msk [tilespmem:v17+s13+$0x0], $0xffff;
	v18 =	vor.u32 v16, v30  }
0xa4: {  	v55 =	vadd.s32 v1, v18;
	_ =	sdelay $0x3  }
0xa5: {  	[tilespmem:$0x1C710] =	vst v17  }
0xa6: {  	p1 =	sgt.s32 s18, $0x0;
	v17 =	vld.idx.msk [tilespmem:v55+s13+$0x0], $0xffff  }
0xa7: {  	s18 =	simm.s32 @!p1 $0x0;
	v18 =	vadd.s32 v2, v18  }
0xa8: {  	s18 =	smin.u32 s18, $0x6FF  }
0xa9: {  	v56 =	vmov s18  }
0xaa: {  	v20 =	vshll.u32 v56, $0x3  }
0xab: {  	v31 =	vand.u32 $0x3C00, v20;
	[tilespmem:$0x1C740] =	vst v17;
	v17 =	vand.u32 $0x7F, v56  }
0xac: {  	v18 =	vld.idx.msk [tilespmem:v18+s13+$0x0], $0xffff;
	v19 =	vor.u32 v17, v31  }
0xad: {  	v57 =	vadd.s32 v1, v19;
	_ =	sdelay $0x3  }
0xae: {  	[tilespmem:$0x1C750] =	vst v18  }
0xaf: {  	p1 =	sgt.s32 s17, $0x0;
	v18 =	vld.idx.msk [tilespmem:v57+s13+$0x0], $0xffff  }
0xb0: {  	s17 =	simm.s32 @!p1 $0x0;
	v19 =	vadd.s32 v2, v19  }
0xb1: {  	s17 =	smin.u32 s17, $0x6FF  }
0xb2: {  	v58 =	vmov s17  }
0xb3: {  	v21 =	vshll.u32 v58, $0x3  }
0xb4: {  	v32 =	vand.u32 $0x3C00, v21;
	[tilespmem:$0x1C780] =	vst v18;
	v18 =	vand.u32 $0x7F, v58  }
0xb5: {  	v19 =	vld.idx.msk [tilespmem:v19+s13+$0x0], $0xffff;
	v20 =	vor.u32 v18, v32  }
0xb6: {  	v59 =	vadd.s32 v1, v20;
	_ =	sdelay $0x3  }
0xb7: {  	[tilespmem:$0x1C790] =	vst v19  }
0xb8: {  	p1 =	sgt.s32 s16, $0x0;
	v19 =	vld.idx.msk [tilespmem:v59+s13+$0x0], $0xffff  }
0xb9: {  	s16 =	simm.s32 @!p1 $0x0;
	v20 =	vadd.s32 v2, v20  }
0xba: {  	s16 =	smin.u32 s16, $0x6FF  }
0xbb: {  	v60 =	vmov s16  }
0xbc: {  	v33 =	vshll.u32 v60, $0x3  }
0xbd: {  	v33 =	vand.u32 $0x3C00, v33;
	[tilespmem:$0x1C7C0] =	vst v19;
	v19 =	vand.u32 $0x7F, v60  }
0xbe: {  	v20 =	vld.idx.msk [tilespmem:v20+s13+$0x0], $0xffff;
	v21 =	vor.u32 v19, v33  }
0xbf: {  	v34 =	vadd.s32 v1, v21;
	_ =	sdelay $0x3  }
0xc0: {  	[tilespmem:$0x1C7D0] =	vst v20  }
0xc1: {  	p1 =	sgt.s32 s15, $0x0;
	v20 =	vld.idx.msk [tilespmem:v34+s13+$0x0], $0xffff  }
0xc2: {  	s15 =	simm.s32 @!p1 $0x0;
	v21 =	vadd.s32 v2, v21  }
0xc3: {  	s15 =	smin.u32 s15, $0x6FF  }
0xc4: {  	v61 =	vmov s15  }
0xc5: {  	v35 =	vshll.u32 v61, $0x3  }
0xc6: {  	v62 =	vand.u32 $0x7F, v61;
	v63 =	vand.u32 $0x3C00, v35;
	[tilespmem:$0x1C800] =	vst v20  }
0xc7: {  	v35 =	vor.u32 v62, v63;
	v21 =	vld.idx.msk [tilespmem:v21+s13+$0x0], $0xffff  }
0xc8: {  	v36 =	vadd.s32 v1, v35;
	_ =	sdelay $0x3  }
0xc9: {  	[tilespmem:$0x1C810] =	vst v21  }
0xca: {  	p1 =	sgt.s32 s14, $0x0;
	v21 =	vld.idx.msk [tilespmem:v36+s13+$0x0], $0xffff  }
0xcb: {  	s14 =	simm.s32 @!p1 $0x0;
	v43 =	vadd.s32 v2, v35  }
0xcc: {  	s14 =	smin.u32 s14, $0x6FF  }
0xcd: {  	v44 =	vmov s14  }
0xce: {  	v37 =	vshll.u32 v44, $0x3  }
0xcf: {  	v45 =	vand.u32 $0x7F, v44;
	v46 =	vand.u32 $0x3C00, v37;
	[tilespmem:$0x1C840] =	vst v21  }
0xd0: {  	v37 =	vor.u32 v45, v46;
	v36 =	vld.idx.msk [tilespmem:v43+s13+$0x0], $0xffff  }
0xd1: {  	v38 =	vadd.s32 v1, v37;
	_ =	sdelay $0x3  }
0xd2: {  	s3 =	ssub.s32 s8, s3;
	[tilespmem:$0x1C850] =	vst v36  }
0xd3: {  	p1 =	sgt.s32 s3, $0x0;
	v36 =	vld.idx.msk [tilespmem:v38+s13+$0x0], $0xffff  }
0xd4: {  	s3 =	simm.s32 @!p1 $0x0;
	v47 =	vadd.s32 v2, v37  }
0xd5: {  	s3 =	smin.u32 s3, $0x6FF  }
0xd6: {  	v48 =	vmov s3  }
0xd7: {  	v39 =	vshll.u32 v48, $0x3  }
0xd8: {  	v49 =	vand.u32 $0x7F, v48;
	v50 =	vand.u32 $0x3C00, v39;
	[tilespmem:$0x1C880] =	vst v36  }
0xd9: {  	v39 =	vor.u32 v49, v50;
	v38 =	vld.idx.msk [tilespmem:v47+s13+$0x0], $0xffff  }
0xda: {  	v40 =	vadd.s32 v1, v39;
	_ =	sdelay $0x3  }
0xdb: {  	[tilespmem:$0x1C890] =	vst v38  }
0xdc: {  	v38 =	vld.idx.msk [tilespmem:v40+s13+$0x0], $0xffff  }
0xdd: {  	v39 =	vadd.s32 v2, v39;
	_ =	sdelay $0x3  }
0xde: {  	[tilespmem:$0x1C8C0] =	vst v38  }
0xdf: {  	v38 =	vld.idx.msk [tilespmem:v39+s13+$0x0], $0xffff;
	_ =	sdelay $0x4  }
0xe0: {  	s3 =	simm.s32 @p0 $0x2;
	[tilespmem:$0x1C8D0] =	vst v38  }
0xe1: {  	v5 =	vshll.u32 v5, $0x3;
	_ =	swait.ge @p0 [sflag:s3], $0xE000  }
0xe2: {  	(v2sf) =	vpush v5, $0x0  }
0xe3: {  	v6 =	vadd.s32 v6, v7  }
0xe4: {  	v7 =	vadd.s32 v3, v6;
	_ =	sdelay $0x2  }
0xe5: {  	[sflag:s3] =	ssyncset.done @p0 $0x0  }
0xe6: {  	[sflag:s3] =	ssyncadd.s32 @p0 $0xFFFF2000  }
0xe7: {  	v7 =	vld.idx.msk [tilespmem:v7+s13+$0x0], $0xffff  }
0xe8: {  	v6 =	vadd.s32 v4, v6;
	_ =	sdelay $0x3  }
0xe9: {  	[tilespmem:$0x1C520] =	vst v7  }
0xea: {  	(v2sf) =	vpush v5, $0x1;
	v6 =	vld.idx.msk [tilespmem:v6+s13+$0x0], $0xffff  }
0xeb: {  	v7 =	vadd.s32 v8, v22  }
0xec: {  	v8 =	vadd.s32 v3, v7;
	s14 =	spop (v2sf)  }
0xed: {  	p0 =	sgt.s32 s7, $0x0;
	s3 =	sand.u32 $0x1FFFFFF8, s14  }
0xee: {  	s3 =	simm.s32 @!p0 $0x20000  }
0xef: {  	s15 =	simm.s32 $0x1C500;
	[tilespmem:$0x1C530] =	vst v6;
	s3 =	sadd.s32 s4, s3  }
0xf0: {  	[hbm4b:s3+s2] =	stream.linear.scatter [tilespmem:s15], [sflag:$0x3], $0x40, $0x38;
	[tilespmem:$0x1C900] =	vst v63  }
0xf1: {  	v6 =	vld.idx.msk [tilespmem:v8+s13+$0x0], $0xffff  }
0xf2: {  	v7 =	vadd.s32 v4, v7;
	_ =	sdelay $0x3  }
0xf3: {  	[tilespmem:$0x1C560] =	vst v6  }
0xf4: {  	(v2sf) =	vpush v5, $0x2;
	v6 =	vld.idx.msk [tilespmem:v7+s13+$0x0], $0xffff  }
0xf5: {  	v7 =	vadd.s32 v9, v23  }
0xf6: {  	s16 =	spop (v2sf);
	v51 =	vadd.s32 v3, v7  }
0xf7: {  	p0 =	sgt.s32 s7, $0x1;
	s3 =	sand.u32 $0x1FFFFFF8, s16  }
0xf8: {  	s3 =	simm.s32 @!p0 $0x20000  }
0xf9: {  	s17 =	simm.s32 $0x1C540;
	s3 =	sadd.s32 s4, s3;
	[tilespmem:$0x1C570] =	vst v6  }
0xfa: {  	[hbm4b:s3+s2] =	stream.linear.scatter [tilespmem:s17], [sflag:$0x3], $0x40, $0x38;
	[tilespmem:$0x1C900] =	vst v63  }
0xfb: {  	v6 =	vld.idx.msk [tilespmem:v51+s13+$0x0], $0xffff  }
0xfc: {  	v7 =	vadd.s32 v4, v7;
	_ =	sdelay $0x3  }
0xfd: {  	[tilespmem:$0x1C5A0] =	vst v6  }
0xfe: {  	(v2sf) =	vpush v5, $0x3;
	v6 =	vld.idx.msk [tilespmem:v7+s13+$0x0], $0xffff  }
0xff: {  	v7 =	vadd.s32 v10, v24  }
0x100: {  	s18 =	spop (v2sf);
	v52 =	vadd.s32 v3, v7  }
0x101: {  	p0 =	sgt.s32 s7, $0x2;
	s3 =	sand.u32 $0x1FFFFFF8, s18  }
0x102: {  	s3 =	simm.s32 @!p0 $0x20000  }
0x103: {  	s19 =	simm.s32 $0x1C580;
	s3 =	sadd.s32 s4, s3;
	[tilespmem:$0x1C5B0] =	vst v6  }
0x104: {  	[hbm4b:s3+s2] =	stream.linear.scatter [tilespmem:s19], [sflag:$0x3], $0x40, $0x38;
	[tilespmem:$0x1C900] =	vst v63  }
0x105: {  	v6 =	vld.idx.msk [tilespmem:v52+s13+$0x0], $0xffff  }
0x106: {  	v7 =	vadd.s32 v4, v7;
	_ =	sdelay $0x3  }
0x107: {  	[tilespmem:$0x1C5E0] =	vst v6  }
0x108: {  	(v2sf) =	vpush v5, $0x4;
	v6 =	vld.idx.msk [tilespmem:v7+s13+$0x0], $0xffff  }
0x109: {  	v7 =	vadd.s32 v11, v25  }
0x10a: {  	s20 =	spop (v2sf);
	v53 =	vadd.s32 v3, v7  }
0x10b: {  	p0 =	sgt.s32 s7, $0x3;
	s3 =	sand.u32 $0x1FFFFFF8, s20  }
0x10c: {  	s3 =	simm.s32 @!p0 $0x20000  }
0x10d: {  	s21 =	simm.s32 $0x1C5C0;
	s3 =	sadd.s32 s4, s3;
	[tilespmem:$0x1C5F0] =	vst v6  }
0x10e: {  	[hbm4b:s3+s2] =	stream.linear.scatter [tilespmem:s21], [sflag:$0x3], $0x40, $0x38;
	[tilespmem:$0x1C900] =	vst v63  }
0x10f: {  	v6 =	vld.idx.msk [tilespmem:v53+s13+$0x0], $0xffff  }
0x110: {  	v7 =	vadd.s32 v4, v7;
	_ =	sdelay $0x3  }
0x111: {  	[tilespmem:$0x1C620] =	vst v6  }
0x112: {  	(v2sf) =	vpush v5, $0x5;
	v6 =	vld.idx.msk [tilespmem:v7+s13+$0x0], $0xffff  }
0x113: {  	v7 =	vadd.s32 v12, v26  }
0x114: {  	s22 =	spop (v2sf);
	v54 =	vadd.s32 v3, v7  }
0x115: {  	p0 =	sgt.s32 s7, $0x4;
	s3 =	sand.u32 $0x1FFFFFF8, s22  }
0x116: {  	s3 =	simm.s32 @!p0 $0x20000  }
0x117: {  	s23 =	simm.s32 $0x1C600;
	s3 =	sadd.s32 s4, s3;
	[tilespmem:$0x1C630] =	vst v6  }
0x118: {  	[hbm4b:s3+s2] =	stream.linear.scatter [tilespmem:s23], [sflag:$0x3], $0x40, $0x38;
	[tilespmem:$0x1C900] =	vst v63  }
0x119: {  	v6 =	vld.idx.msk [tilespmem:v54+s13+$0x0], $0xffff  }
0x11a: {  	v7 =	vadd.s32 v4, v7;
	_ =	sdelay $0x3  }
0x11b: {  	[tilespmem:$0x1C660] =	vst v6  }
0x11c: {  	(v2sf) =	vpush v5, $0x6;
	v6 =	vld.idx.msk [tilespmem:v7+s13+$0x0], $0xffff  }
0x11d: {  	v7 =	vadd.s32 v13, v27  }
0x11e: {  	s24 =	spop (v2sf);
	v55 =	vadd.s32 v3, v7  }
0x11f: {  	p0 =	sgt.s32 s7, $0x5;
	s3 =	sand.u32 $0x1FFFFFF8, s24  }
0x120: {  	s3 =	simm.s32 @!p0 $0x20000  }
0x121: {  	s25 =	simm.s32 $0x1C640;
	s3 =	sadd.s32 s4, s3;
	[tilespmem:$0x1C670] =	vst v6  }
0x122: {  	[hbm4b:s3+s2] =	stream.linear.scatter [tilespmem:s25], [sflag:$0x3], $0x40, $0x38;
	[tilespmem:$0x1C900] =	vst v63  }
0x123: {  	v6 =	vld.idx.msk [tilespmem:v55+s13+$0x0], $0xffff  }
0x124: {  	v7 =	vadd.s32 v4, v7;
	_ =	sdelay $0x3  }
0x125: {  	[tilespmem:$0x1C6A0] =	vst v6  }
0x126: {  	(v2sf) =	vpush v5, $0x7;
	v6 =	vld.idx.msk [tilespmem:v7+s13+$0x0], $0xffff  }
0x127: {  	v7 =	vadd.s32 v14, v28  }
0x128: {  	s26 =	spop (v2sf);
	v56 =	vadd.s32 v3, v7  }
0x129: {  	p0 =	sgt.s32 s7, $0x6;
	s3 =	sand.u32 $0x1FFFFFF8, s26  }
0x12a: {  	s3 =	simm.s32 @!p0 $0x20000  }
0x12b: {  	s28 =	simm.s32 $0x1C680;
	s3 =	sadd.s32 s4, s3;
	[tilespmem:$0x1C6B0] =	vst v6  }
0x12c: {  	[hbm4b:s3+s2] =	stream.linear.scatter [tilespmem:s28], [sflag:$0x3], $0x40, $0x38;
	[tilespmem:$0x1C900] =	vst v63  }
0x12d: {  	v6 =	vld.idx.msk [tilespmem:v56+s13+$0x0], $0xffff  }
0x12e: {  	v7 =	vadd.s32 v4, v7;
	_ =	sdelay $0x3  }
0x12f: {  	[tilespmem:$0x1C6E0] =	vst v6  }
0x130: {  	(v2sf) =	vpush v5, $0x8;
	v6 =	vld.idx.msk [tilespmem:v7+s13+$0x0], $0xffff  }
0x131: {  	v7 =	vadd.s32 v15, v29  }
0x132: {  	s8 =	spop (v2sf);
	v57 =	vadd.s32 v3, v7  }
0x133: {  	p0 =	sgt.s32 s7, $0x7;
	s3 =	sand.u32 $0x1FFFFFF8, s8  }
0x134: {  	s3 =	simm.s32 @!p0 $0x20000  }
0x135: {  	s14 =	simm.s32 $0x1C6C0;
	s3 =	sadd.s32 s4, s3;
	[tilespmem:$0x1C6F0] =	vst v6  }
0x136: {  	[hbm4b:s3+s2] =	stream.linear.scatter [tilespmem:s14], [sflag:$0x3], $0x40, $0x38;
	[tilespmem:$0x1C900] =	vst v63  }
0x137: {  	v6 =	vld.idx.msk [tilespmem:v57+s13+$0x0], $0xffff  }
0x138: {  	v7 =	vadd.s32 v4, v7;
	_ =	sdelay $0x3  }
0x139: {  	[tilespmem:$0x1C720] =	vst v6  }
0x13a: {  	(v2sf) =	vpush v5, $0x9;
	v6 =	vld.idx.msk [tilespmem:v7+s13+$0x0], $0xffff  }
0x13b: {  	v7 =	vadd.s32 v16, v30  }
0x13c: {  	s15 =	spop (v2sf);
	v58 =	vadd.s32 v3, v7  }
0x13d: {  	p0 =	sgt.s32 s7, $0x8;
	s3 =	sand.u32 $0x1FFFFFF8, s15  }
0x13e: {  	s3 =	simm.s32 @!p0 $0x20000  }
0x13f: {  	s16 =	simm.s32 $0x1C700;
	s3 =	sadd.s32 s4, s3;
	[tilespmem:$0x1C730] =	vst v6  }
0x140: {  	[hbm4b:s3+s2] =	stream.linear.scatter [tilespmem:s16], [sflag:$0x3], $0x40, $0x38;
	[tilespmem:$0x1C900] =	vst v63  }
0x141: {  	v6 =	vld.idx.msk [tilespmem:v58+s13+$0x0], $0xffff  }
0x142: {  	v7 =	vadd.s32 v4, v7;
	_ =	sdelay $0x3  }
0x143: {  	[tilespmem:$0x1C760] =	vst v6  }
0x144: {  	(v2sf) =	vpush v5, $0xA;
	v6 =	vld.idx.msk [tilespmem:v7+s13+$0x0], $0xffff  }
0x145: {  	v7 =	vadd.s32 v17, v31  }
0x146: {  	s17 =	spop (v2sf);
	v59 =	vadd.s32 v3, v7  }
0x147: {  	p0 =	sgt.s32 s7, $0x9;
	s3 =	sand.u32 $0x1FFFFFF8, s17  }
0x148: {  	s3 =	simm.s32 @!p0 $0x20000  }
0x149: {  	s18 =	simm.s32 $0x1C740;
	s3 =	sadd.s32 s4, s3;
	[tilespmem:$0x1C770] =	vst v6  }
0x14a: {  	[hbm4b:s3+s2] =	stream.linear.scatter [tilespmem:s18], [sflag:$0x3], $0x40, $0x38;
	[tilespmem:$0x1C900] =	vst v63  }
0x14b: {  	v6 =	vld.idx.msk [tilespmem:v59+s13+$0x0], $0xffff  }
0x14c: {  	v7 =	vadd.s32 v4, v7;
	_ =	sdelay $0x3  }
0x14d: {  	[tilespmem:$0x1C7A0] =	vst v6  }
0x14e: {  	(v2sf) =	vpush v5, $0xB;
	v6 =	vld.idx.msk [tilespmem:v7+s13+$0x0], $0xffff  }
0x14f: {  	v7 =	vadd.s32 v18, v32  }
0x150: {  	s19 =	spop (v2sf);
	v60 =	vadd.s32 v3, v7  }
0x151: {  	p0 =	sgt.s32 s7, $0xA;
	s3 =	sand.u32 $0x1FFFFFF8, s19  }
0x152: {  	s3 =	simm.s32 @!p0 $0x20000  }
0x153: {  	s20 =	simm.s32 $0x1C780;
	s3 =	sadd.s32 s4, s3;
	[tilespmem:$0x1C7B0] =	vst v6  }
0x154: {  	[hbm4b:s3+s2] =	stream.linear.scatter [tilespmem:s20], [sflag:$0x3], $0x40, $0x38;
	[tilespmem:$0x1C900] =	vst v63  }
0x155: {  	v6 =	vld.idx.msk [tilespmem:v60+s13+$0x0], $0xffff  }
0x156: {  	v7 =	vadd.s32 v4, v7;
	_ =	sdelay $0x3  }
0x157: {  	[tilespmem:$0x1C7E0] =	vst v6  }
0x158: {  	(v2sf) =	vpush v5, $0xC;
	v6 =	vld.idx.msk [tilespmem:v7+s13+$0x0], $0xffff  }
0x159: {  	v7 =	vadd.s32 v19, v33  }
0x15a: {  	s21 =	spop (v2sf);
	v61 =	vadd.s32 v3, v7  }
0x15b: {  	p0 =	sgt.s32 s7, $0xB;
	s3 =	sand.u32 $0x1FFFFFF8, s21  }
0x15c: {  	s3 =	simm.s32 @!p0 $0x20000  }
0x15d: {  	s22 =	simm.s32 $0x1C7C0;
	s3 =	sadd.s32 s4, s3;
	[tilespmem:$0x1C7F0] =	vst v6  }
0x15e: {  	[hbm4b:s3+s2] =	stream.linear.scatter [tilespmem:s22], [sflag:$0x3], $0x40, $0x38;
	[tilespmem:$0x1C900] =	vst v63  }
0x15f: {  	v6 =	vld.idx.msk [tilespmem:v61+s13+$0x0], $0xffff  }
0x160: {  	v7 =	vadd.s32 v4, v7;
	_ =	sdelay $0x3  }
0x161: {  	[tilespmem:$0x1C820] =	vst v6  }
0x162: {  	(v2sf) =	vpush v5, $0xD;
	v6 =	vld.idx.msk [tilespmem:v7+s13+$0x0], $0xffff  }
0x163: {  	v7 =	vadd.s32 v62, v63  }
0x164: {  	s23 =	spop (v2sf);
	v62 =	vadd.s32 v3, v7  }
0x165: {  	p0 =	sgt.s32 s7, $0xC;
	s3 =	sand.u32 $0x1FFFFFF8, s23  }
0x166: {  	s3 =	simm.s32 @!p0 $0x20000  }
0x167: {  	s24 =	simm.s32 $0x1C800;
	s3 =	sadd.s32 s4, s3;
	[tilespmem:$0x1C830] =	vst v6  }
0x168: {  	[hbm4b:s3+s2] =	stream.linear.scatter [tilespmem:s24], [sflag:$0x3], $0x40, $0x38;
	[tilespmem:$0x1C900] =	vst v63  }
0x169: {  	v6 =	vld.idx.msk [tilespmem:v62+s13+$0x0], $0xffff  }
0x16a: {  	v7 =	vadd.s32 v4, v7;
	_ =	sdelay $0x3  }
0x16b: {  	[tilespmem:$0x1C860] =	vst v6  }
0x16c: {  	(v2sf) =	vpush v5, $0xE;
	v6 =	vld.idx.msk [tilespmem:v7+s13+$0x0], $0xffff  }
0x16d: {  	v7 =	vadd.s32 v45, v46  }
0x16e: {  	s25 =	spop (v2sf);
	v63 =	vadd.s32 v3, v7  }
0x16f: {  	p0 =	sgt.s32 s7, $0xD;
	s3 =	sand.u32 $0x1FFFFFF8, s25  }
0x170: {  	s3 =	simm.s32 @!p0 $0x20000  }
0x171: {  	s3 =	sadd.s32 s4, s3;
	[tilespmem:$0x1C870] =	vst v6  }
0x172: {  	[hbm4b:s3+s2] =	stream.linear.scatter [tilespmem:s29], [sflag:$0x3], $0x40, $0x38;
	[tilespmem:$0x1C900] =	vst v63  }
0x173: {  	v6 =	vld.idx.msk [tilespmem:v63+s13+$0x0], $0xffff  }
0x174: {  	v7 =	vadd.s32 v4, v7;
	_ =	sdelay $0x3  }
0x175: {  	[tilespmem:$0x1C8A0] =	vst v6  }
0x176: {  	(v2sf) =	vpush v5, $0xF;
	v6 =	vld.idx.msk [tilespmem:v7+s13+$0x0], $0xffff  }
0x177: {  	v5 =	vadd.s32 v49, v50  }
0x178: {  	s26 =	spop (v2sf);
	v7 =	vadd.s32 v3, v5  }
0x179: {  	p0 =	sgt.s32 s7, $0xE;
	s3 =	sand.u32 $0x1FFFFFF8, s26  }
0x17a: {  	s3 =	simm.s32 @!p0 $0x20000  }
0x17b: {  	s3 =	sadd.s32 s4, s3;
	[tilespmem:$0x1C8B0] =	vst v6  }
0x17c: {  	[hbm4b:s3+s2] =	stream.linear.scatter [tilespmem:s30], [sflag:$0x3], $0x40, $0x38;
	[tilespmem:$0x1C900] =	vst v63  }
0x17d: {  	v6 =	vld.idx.msk [tilespmem:v7+s13+$0x0], $0xffff  }
0x17e: {  	v5 =	vadd.s32 v4, v5;
	_ =	sdelay $0x3  }
0x17f: {  	[tilespmem:$0x1C8E0] =	vst v6  }
0x180: {  	v5 =	vld.idx.msk [tilespmem:v5+s13+$0x0], $0xffff;
	_ =	sdelay $0x1  }
0x181: {  	s28 =	spop (v2sf)  }
0x182: {  	p0 =	sgt.s32 s7, $0xF;
	s3 =	sand.u32 $0x1FFFFFF8, s28  }
0x183: {  	s3 =	simm.s32 @!p0 $0x20000  }
0x184: {  	s3 =	sadd.s32 s4, s3;
	[tilespmem:$0x1C8F0] =	vst v5  }
0x185: {  	[hbm4b:s3+s2] =	stream.linear.scatter [tilespmem:s31], [sflag:$0x3], $0x40, $0x38;
	[tilespmem:$0x1C900] =	vst v63  }
0x186: {  	_ =	swait.ge [sflag:s1], $0x40  }
0x187: {  	[sflag:s1] =	ssyncset.done $0x0  }
0x188: {  	[sflag:s1] =	ssyncadd.s32 $0xFFFFFFC0  }
0x189: {  	_ =	swait.ge [sflag:s1], $0x40  }
0x18a: {  	[sflag:s1] =	ssyncset.done $0x0  }
0x18b: {  	[sflag:s1] =	ssyncadd.s32 $0xFFFFFFC0  }
0x18c: {  	_ =	swait.ge [sflag:s1], $0x40  }
0x18d: {  	[sflag:s1] =	ssyncset.done $0x0  }
0x18e: {  	[sflag:s1] =	ssyncadd.s32 $0xFFFFFFC0  }
0x18f: {  	_ =	swait.ge [sflag:s1], $0x40  }
0x190: {  	[sflag:s1] =	ssyncset.done $0x0  }
0x191: {  	[sflag:s1] =	ssyncadd.s32 $0xFFFFFFC0  }
0x192: {  	_ =	swait.ge [sflag:s1], $0x40  }
0x193: {  	[sflag:s1] =	ssyncset.done $0x0  }
0x194: {  	[sflag:s1] =	ssyncadd.s32 $0xFFFFFFC0  }
0x195: {  	_ =	swait.ge [sflag:s1], $0x40  }
0x196: {  	[sflag:s1] =	ssyncset.done $0x0  }
0x197: {  	[sflag:s1] =	ssyncadd.s32 $0xFFFFFFC0  }
0x198: {  	_ =	swait.ge [sflag:s1], $0x40  }
0x199: {  	[sflag:s1] =	ssyncset.done $0x0  }
0x19a: {  	[sflag:s1] =	ssyncadd.s32 $0xFFFFFFC0  }
0x19b: {  	_ =	swait.ge [sflag:s1], $0x40  }
0x19c: {  	[sflag:s1] =	ssyncset.done $0x0  }
0x19d: {  	[sflag:s1] =	ssyncadd.s32 $0xFFFFFFC0  }
0x19e: {  	_ =	swait.ge [sflag:s1], $0x40  }
0x19f: {  	[sflag:s1] =	ssyncset.done $0x0  }
0x1a0: {  	[sflag:s1] =	ssyncadd.s32 $0xFFFFFFC0  }
0x1a1: {  	_ =	swait.ge [sflag:s1], $0x40  }
0x1a2: {  	[sflag:s1] =	ssyncset.done $0x0  }
0x1a3: {  	[sflag:s1] =	ssyncadd.s32 $0xFFFFFFC0  }
0x1a4: {  	_ =	swait.ge [sflag:s1], $0x40  }
0x1a5: {  	[sflag:s1] =	ssyncset.done $0x0  }
0x1a6: {  	[sflag:s1] =	ssyncadd.s32 $0xFFFFFFC0  }
0x1a7: {  	_ =	swait.ge [sflag:s1], $0x40  }
0x1a8: {  	[sflag:s1] =	ssyncset.done $0x0  }
0x1a9: {  	[sflag:s1] =	ssyncadd.s32 $0xFFFFFFC0  }
0x1aa: {  	_ =	swait.ge [sflag:s1], $0x40  }
0x1ab: {  	[sflag:s1] =	ssyncset.done $0x0  }
0x1ac: {  	[sflag:s1] =	ssyncadd.s32 $0xFFFFFFC0  }
0x1ad: {  	_ =	swait.ge [sflag:s1], $0x40  }
0x1ae: {  	[sflag:s1] =	ssyncset.done $0x0  }
0x1af: {  	[sflag:s1] =	ssyncadd.s32 $0xFFFFFFC0  }
0x1b0: {  	_ =	swait.ge [sflag:s1], $0x40  }
0x1b1: {  	[sflag:s1] =	ssyncset.done $0x0  }
0x1b2: {  	[sflag:s1] =	ssyncadd.s32 $0xFFFFFFC0  }
0x1b3: {  	_ =	swait.ge [sflag:s1], $0x40  }
0x1b4: {  	[sflag:s1] =	ssyncset.done $0x0  }
0x1b5: {  	[sflag:s1] =	ssyncadd.s32 $0xFFFFFFC0  }
.LBB2_6:
0x1b6: {  	s5 =	sadd.s32 $0xFFFFFFFF, s5  }
0x1b7: {  	p0 =	sne.s32 s5, $0x0  }
.Ltmp3:
0x1b8: {  	_ = 	snop;
	(pc) =	sbr.rel @!p0 .LBB2_7-.Ltmp3, $2  }
0x1b9: {  	_ =	sdelay $0x2  }
0x1ba: {  	s6 =	sadd.s32 s6, s7  }
.LBB2_2:
0x1bb: {  	v6 =	vld [tilespmem:s6+$0x0];
	_ =	sdelay $0x4  }
0x1bc: {  	(v2sf) =	vpush v6, $0xF  }
0x1bd: {  	(v2sf) =	vpush v6, $0x0;
	_ =	sdelay $0xd  }
0x1be: {  	s8 =	spop (v2sf)  }
0x1bf: {  	s16 =	spop (v2sf)  }
0x1c0: {  	s3 =	sand.u32 $0x7F, s16  }
0x1c1: {  	s7 =	sshra.s32 s16, $0x1F;
	p0 =	slt.s32 s16, $0x1;
	p1 =	sne.s32 s3, $0x0  }
0x1c2: {  	s28 =	sshll.u32 s9, $0x7;
	s7 =	sshrl.u32 s7, $0x19;
	p0 =	por !p0, !p1  }
0x1c3: {  	s14 =	simm.s32 $0x1;
	s7 =	sadd.s32 s7, s16;
	p0 =	por !p0, !p0  }
0x1c4: {  	s3 =	sadd.s32 $0x700, s28;
	s7 =	sshra.s32 s7, $0x7;
	s14 =	simm.s32 @!p0 $0x0  }
0x1c5: {  	p5 =	slt.s32 s9, $0x0;
	p4 =	sge.s32 s8, s3;
	s3 =	ssub.s32 s7, s14  }
0x1c6: {  	p2 =	slt.s32 s6, $0x200;
	p0 =	por p5, p4;
	p1 =	slt.s32 s3, $0x1E77  }
0x1c7: {  	p6 =	por !p2, !p0;
	s3 =	simm.s32 @!p1 $0x1E77  }
0x1c8: {  	s9 =	smov.u32 @p0 s3;
	p0 =	por !p6, !p6  }
.Ltmp4:
0x1c9: {  	_ = 	snop;
	(pc) =	sbr.rel @p0 .LBB2_3-.Ltmp4, $2  }
0x1ca: {  	_ =	sdelay $0x2  }
0x1cb: {  	v5 =	vld [tilespmem:s6+$0x280];
	s3 =	sshll.u32 s9, $0x7  }
0x1cc: {  	s7 =	sadd.s32 $0x700, s3  }
0x1cd: {  	vm0 =	vlt.s32 v6, s7  }
0x1ce: {  	v7 =	vmpcnt.ones.xlane vm0;
	_ =	sdelay $0x1  }
0x1cf: {  	(v2sf) =	vpush v7, $0x0;
	_ =	sdelay $0x9  }
0x1d0: {  	p1 =	sgt.s32 s6, $0x1FF  }
.Ltmp5:
0x1d1: {  	_ = 	snop;
	(pc) =	sbr.rel @p1 .LBB2_6-.Ltmp5, $4  }
.Ltmp6:
0x1d2: {  	_ = 	snop;
	(pc) =	sbr.rel @!p1 .LBB2_5-.Ltmp6, $4  }
0x1d3: {  	_ = 	snop  }
0x1d4: {  	_ = 	snop  }
0x1d5: {  	s7 =	spop (v2sf)  }
0x1d6: {  	_ = 	snop  }
.LBB2_8:
0x1d7: {  	_ =	sfence.sel $0x180000  }
0x1d8: {  	[bflag:$0x0] =	sbarrier.arrive $0xFFFF  }
0x1d9: {  	_ =	strace $0x90000047  }
0x1da: {  	s0 =	stileid.u32;
	[bflag:$0x2] =	sbarrier.arrive $0xFFFF  }
0x1db: {  	p0 =	sne.s32 s0, $0x0;
	s0 =	rddreg [dreg:$0x3]  }
0x1dc: {  	s0 =	sadd.s32 @!p0 $0x100000, s0  }
0x1dd: {  	[sflag:s0] =	ssyncadd.tile.s32 @!p0 $0x1;
	_ =	shalt  }
.Lfunc_end2:
_tile_overlayer_lowered:
.L_overlay_start_2:
0x1de: {  	(tag) =	ssettag $0x2  }
0x1df: {  	s0 =	rddreg [dreg:$0x0];
	s2 =	stileid.u32  }
0x1e0: {  	s1 =	rddreg [dreg:$0x1];
	p0 =	sne.s32 s2, $0x0  }
0x1e1: {  	s3 =	rddreg [dreg:$0x2];
	[bflag:$0x3] =	sbarrier.arrive $0xFFFF;
	s2 =	simm.s32 @!p0 $0x1C04  }
0x1e2: {  	[timem:s3], [sflag:s2] =	dma.local @!p0 [hbm:s0], s1  }
0x1e3: {  	s0 =	simm.s32 @!p0 $0x4  }
0x1e4: {  	_ =	swait.ge @!p0 [sflag:s0], s1  }
0x1e5: {  	s1 =	ssub.s32 @!p0 $0x0, s1;
	[sflag:s0] =	ssyncset.done @!p0 $0x0  }
0x1e6: {  	[sflag:s0] =	ssyncadd.s32 @!p0 s1  }
0x1e7: {  	[bflag:$0x3] =	sbarrier.arrive $0xFFFF  }
0x1e8: {  	_ =	shalt  }

</sc_bundles>
